<compile_context>
chip_gen: v7x
topology: tpu7x:2x2x1
jax: 0.10.2.dev20260603
libtpu: 0.0.44.dev20260713+nightly
codegen_flags: <defaults>
</compile_context>

<pallas_src>
import functools

import jax
import jax.numpy as jnp
from jax import lax
from jax.experimental import pallas as pl
from jax.experimental.pallas import tpu as pltpu
from jax.experimental.pallas import tpu_sc as plsc


@functools.cache
def _build(B, F, V, D):
    info = plsc.get_sparse_core_info()
    NC, NS, L = info.num_cores, info.num_subcores, info.num_lanes
    NW = NC * NS
    assert D == NW, "one emb_dim plane per vector subcore"
    CHO = 2048
    NCH = B // CHO
    assert B % CHO == 0 and CHO % L == 0
    mesh = plsc.VectorSubcoreMesh(core_axis_name="c", subcore_axis_name="s")

    @functools.partial(
        pl.kernel,
        mesh=mesh,
        out_type=jax.ShapeDtypeStruct((F, D, B), jnp.float32),
        scratch_types=[
            pltpu.VMEM((V,), jnp.float32),
            pltpu.VMEM((2, CHO), jnp.int32),
            pltpu.VMEM((2, CHO), jnp.float32),
            pltpu.VMEM((D,), jnp.float32),
            pltpu.SemaphoreType.DMA,
            pltpu.SemaphoreType.DMA,
            pltpu.SemaphoreType.DMA,
            pltpu.SemaphoreType.DMA,
        ],
        compiler_params=pltpu.CompilerParams(needs_layout_passes=False),
    )
    def gather_bias(tab_t, x_t, col, out_t, plane_v, idx_v, out_v, col_v,
                    sem_i0, sem_i1, sem_o0, sem_o1):
        w = lax.axis_index("s") * NC + lax.axis_index("c")
        w16 = jnp.full((L,), w, jnp.int32)
        sem_i = (sem_i0, sem_i1)
        sem_o = (sem_o0, sem_o1)

        def field_body(f, carry):
            pltpu.sync_copy(tab_t.at[f, w], plane_v)
            pltpu.sync_copy(col.at[f], col_v)
            bias = plsc.load_gather(col_v, [w16])
            idx_cp = [None, None]
            out_cp = [None, None]
            idx_cp[0] = pltpu.async_copy(
                x_t.at[f, pl.ds(0, CHO)], idx_v.at[0], sem_i[0])
            for c in range(NCH):
                b0 = c % 2
                idx_cp[b0].wait()
                if c + 1 < NCH:
                    b1 = (c + 1) % 2
                    idx_cp[b1] = pltpu.async_copy(
                        x_t.at[f, pl.ds((c + 1) * CHO, CHO)],
                        idx_v.at[b1], sem_i[b1])
                if out_cp[b0] is not None:
                    out_cp[b0].wait()

                @plsc.parallel_loop(0, CHO // L, unroll=8)
                def ibody(i):
                    idx16 = idx_v[b0, pl.ds(i * L, L)]
                    out_v[b0, pl.ds(i * L, L)] = (
                        plsc.load_gather(plane_v, [idx16]) + bias
                    )

                out_cp[b0] = pltpu.async_copy(
                    out_v.at[b0], out_t.at[f, w, pl.ds(c * CHO, CHO)],
                    sem_o[b0])
            out_cp[0].wait()
            out_cp[1].wait()
            return carry

        lax.fori_loop(0, F, field_body, 0)

    return gather_bias


def kernel(x_cat, tables, col_embed):
    F, V, D = tables.shape
    B = x_cat.shape[0]
    tab_t = tables.transpose(0, 2, 1)
    x_t = x_cat.astype(jnp.int32).T
    out_t = _build(B, F, V, D)(tab_t, x_t, col_embed)
    return out_t.transpose(2, 0, 1)

# --- scband reference (transcript-rebuilt; emitter-appended) ---
"""Pipeline reference for scband-cat-token-embed-56014963475211 (READ-ONLY COPY).

The authoritative reference and input builder live on the scoring server;
editing this copy changes nothing except your own understanding.
"""

import jax, jax.numpy as jnp
import numpy as np

N_FIELDS = 26
VOCAB = 100000
EMB_DIM = 32
BATCH = 16384


def setup_inputs(seed: int = 0) -> dict:
    key = jax.random.key(seed)
    k1, k2 = jax.random.split(key, 2)
    x_cat = jax.random.randint(k1, (BATCH, N_FIELDS), 0, VOCAB)
    # per-field embedding tables, stacked: [n_fields, vocab, emb_dim], init N(0, 0.02)
    tables = jax.random.normal(k2, (N_FIELDS, VOCAB, EMB_DIM), dtype=jnp.float32) * 0.02
    # col_embed initialized to zeros, as in the torch module
    col_embed = jnp.zeros((N_FIELDS, EMB_DIM), dtype=jnp.float32)
    return {"x_cat": x_cat, "tables": tables, "col_embed": col_embed}


def reference(x_cat, tables, col_embed):
    # tokens[i] = embs[i](x_cat[:, i]) -> gather per field, stacked on dim 1
    tokens = jax.vmap(lambda tab, idx: jnp.take(tab, idx, axis=0), in_axes=(0, 1), out_axes=1)(tables, x_cat)
    # x = stack(tokens, dim=1) + col_embed.unsqueeze(0)
    x = tokens + col_embed[None, :, :]
    return x

if __name__ == "__main__":
    import jax
    _d = setup_inputs()
    print(jax.jit(kernel)(*tuple(_d.values())))

</pallas_src>

<mosaic_0001>
#map = affine_map<(d0, d1) -> (0, 0, 0)>
#map1 = affine_map<(d0, d1) -> (0, 0)>
module attributes {stable_mosaic.version = 14 : i64} {
  func.func @gather_bias(%arg0: i32, %arg1: i32, %arg2: memref<26x32x100000xf32, #tpu.memory_space<hbm>>, %arg3: memref<26x16384xi32, #tpu.memory_space<hbm>>, %arg4: memref<26x32xf32, #tpu.memory_space<hbm>>, %arg5: memref<26x32x16384xf32, #tpu.memory_space<hbm>>, %arg6: memref<100000xf32, #tpu.memory_space<vmem>>, %arg7: memref<2x2048xi32, #tpu.memory_space<vmem>>, %arg8: memref<2x2048xf32, #tpu.memory_space<vmem>>, %arg9: memref<32xf32, #tpu.memory_space<vmem>>, %arg10: memref<!tpu.dma_semaphore, #tpu.memory_space<semaphore_mem>>, %arg11: memref<!tpu.dma_semaphore, #tpu.memory_space<semaphore_mem>>, %arg12: memref<!tpu.dma_semaphore, #tpu.memory_space<semaphore_mem>>, %arg13: memref<!tpu.dma_semaphore, #tpu.memory_space<semaphore_mem>>) attributes {dimension_semantics = [#tpu.dimension_semantics<core_parallel>, #tpu.dimension_semantics<subcore_parallel>], iteration_bounds = array<i64: 2, 16>, scalar_prefetch = 0 : i64, scratch_operands = 8 : i64, tpu.core_type = #tpu.core_type<sc_vector_subcore>, window_params = [{transform_indices = #map}, {transform_indices = #map1}, {transform_indices = #map1}, {transform_indices = #map}]} {
    %mul3A = arith.constant 2 : i32
    %mul3A_0 = arith.muli %arg1, %mul3A : i32
    %add3A = arith.addi %mul3A_0, %arg0 : i32
    %broadcast_in_dim3A = vector.broadcast %add3A : i32 to vector<16xi32>
    %scan3A = arith.constant 0 : i32
    %scan3A_1 = arith.constant 0 : i32
    %scan3A_2 = arith.constant 26 : i32
    %scan3A_3 = arith.addi %scan3A_1, %scan3A_2 : i32
    %scan3A_4 = arith.constant 1 : i32
    scf.for %scan3A_6 = %scan3A_1 to %scan3A_3 step %scan3A_4  : i32 {
      "tpu.region"() ({
        %run_scoped3A = tpu.sem_alloc : memref<!tpu.dma_semaphore, #tpu.memory_space<semaphore_mem>>
        %dma_start3A_444 = arith.constant 0 : i32
        %dma_start3A_445 = tpu.memref_slice %arg2[%scan3A_6, %add3A, %dma_start3A_444] : memref<26x32x100000xf32, #tpu.memory_space<hbm>> -> memref<1x1x100000xf32, #tpu.memory_space<hbm>>
        %dma_start3A_446 = tpu.memref_squeeze %dma_start3A_445 : memref<1x1x100000xf32, #tpu.memory_space<hbm>> -> memref<100000xf32, #tpu.memory_space<hbm>>
        %dma_start3A_447 = arith.constant 0 : i32
        %dma_start3A_448 = tpu.memref_slice %arg2[%scan3A_6, %add3A, %dma_start3A_447] : memref<26x32x100000xf32, #tpu.memory_space<hbm>> -> memref<1x1x100000xf32, #tpu.memory_space<hbm>>
        %dma_start3A_449 = tpu.memref_squeeze %dma_start3A_448 : memref<1x1x100000xf32, #tpu.memory_space<hbm>> -> memref<100000xf32, #tpu.memory_space<hbm>>
        tpu.enqueue_dma source(%dma_start3A_449 : memref<100000xf32, #tpu.memory_space<hbm>>) target(%arg6 : memref<100000xf32, #tpu.memory_space<vmem>>) target_semaphore(%run_scoped3A : memref<!tpu.dma_semaphore, #tpu.memory_space<semaphore_mem>>)
        %dma_wait3A_450 = arith.constant 0 : i32
        %dma_wait3A_451 = tpu.memref_slice %arg2[%scan3A_6, %add3A, %dma_wait3A_450] : memref<26x32x100000xf32, #tpu.memory_space<hbm>> -> memref<1x1x100000xf32, #tpu.memory_space<hbm>>
        %dma_wait3A_452 = tpu.memref_squeeze %dma_wait3A_451 : memref<1x1x100000xf32, #tpu.memory_space<hbm>> -> memref<100000xf32, #tpu.memory_space<hbm>>
        %dma_wait3A_453 = arith.constant 0 : i32
        %dma_wait3A_454 = tpu.memref_slice %arg2[%scan3A_6, %add3A, %dma_wait3A_453] : memref<26x32x100000xf32, #tpu.memory_space<hbm>> -> memref<1x1x100000xf32, #tpu.memory_space<hbm>>
        %dma_wait3A_455 = tpu.memref_squeeze %dma_wait3A_454 : memref<1x1x100000xf32, #tpu.memory_space<hbm>> -> memref<100000xf32, #tpu.memory_space<hbm>>
        tpu.wait_dma2 semaphore(%run_scoped3A : memref<!tpu.dma_semaphore, #tpu.memory_space<semaphore_mem>>) src(%dma_wait3A_455 : memref<100000xf32, #tpu.memory_space<hbm>>) dst(%arg6 : memref<100000xf32, #tpu.memory_space<vmem>>)
        tpu.yield
      }) : () -> ()
      "tpu.region"() ({
        %run_scoped3A = tpu.sem_alloc : memref<!tpu.dma_semaphore, #tpu.memory_space<semaphore_mem>>
        %dma_start3A_444 = arith.constant 0 : i32
        %dma_start3A_445 = tpu.memref_slice %arg4[%scan3A_6, %dma_start3A_444] : memref<26x32xf32, #tpu.memory_space<hbm>> -> memref<1x32xf32, #tpu.memory_space<hbm>>
        %dma_start3A_446 = tpu.memref_squeeze %dma_start3A_445 : memref<1x32xf32, #tpu.memory_space<hbm>> -> memref<32xf32, #tpu.memory_space<hbm>>
        %dma_start3A_447 = arith.constant 0 : i32
        %dma_start3A_448 = tpu.memref_slice %arg4[%scan3A_6, %dma_start3A_447] : memref<26x32xf32, #tpu.memory_space<hbm>> -> memref<1x32xf32, #tpu.memory_space<hbm>>
        %dma_start3A_449 = tpu.memref_squeeze %dma_start3A_448 : memref<1x32xf32, #tpu.memory_space<hbm>> -> memref<32xf32, #tpu.memory_space<hbm>>
        tpu.enqueue_dma source(%dma_start3A_449 : memref<32xf32, #tpu.memory_space<hbm>>) target(%arg9 : memref<32xf32, #tpu.memory_space<vmem>>) target_semaphore(%run_scoped3A : memref<!tpu.dma_semaphore, #tpu.memory_space<semaphore_mem>>)
        %dma_wait3A_450 = arith.constant 0 : i32
        %dma_wait3A_451 = tpu.memref_slice %arg4[%scan3A_6, %dma_wait3A_450] : memref<26x32xf32, #tpu.memory_space<hbm>> -> memref<1x32xf32, #tpu.memory_space<hbm>>
        %dma_wait3A_452 = tpu.memref_squeeze %dma_wait3A_451 : memref<1x32xf32, #tpu.memory_space<hbm>> -> memref<32xf32, #tpu.memory_space<hbm>>
        %dma_wait3A_453 = arith.constant 0 : i32
        %dma_wait3A_454 = tpu.memref_slice %arg4[%scan3A_6, %dma_wait3A_453] : memref<26x32xf32, #tpu.memory_space<hbm>> -> memref<1x32xf32, #tpu.memory_space<hbm>>
        %dma_wait3A_455 = tpu.memref_squeeze %dma_wait3A_454 : memref<1x32xf32, #tpu.memory_space<hbm>> -> memref<32xf32, #tpu.memory_space<hbm>>
        tpu.wait_dma2 semaphore(%run_scoped3A : memref<!tpu.dma_semaphore, #tpu.memory_space<semaphore_mem>>) src(%dma_wait3A_455 : memref<32xf32, #tpu.memory_space<hbm>>) dst(%arg9 : memref<32xf32, #tpu.memory_space<vmem>>)
        tpu.yield
      }) : () -> ()
      %gather3A = tpu.vector_load_idx %arg9[%broadcast_in_dim3A] : memref<32xf32, #tpu.memory_space<vmem>>[vector<16xi32>], vector<16xf32>,
      %dma_start3A = arith.constant 0 : i32
      %dma_start3A_7 = arith.constant 0 : i32
      %dma_start3A_8 = tpu.memref_slice %arg7[%dma_start3A, %dma_start3A_7] : memref<2x2048xi32, #tpu.memory_space<vmem>> -> memref<1x2048xi32, #tpu.memory_space<vmem>>
      %dma_start3A_9 = tpu.memref_squeeze %dma_start3A_8 : memref<1x2048xi32, #tpu.memory_space<vmem>> -> memref<2048xi32, #tpu.memory_space<vmem>>
      %dma_start3A_10 = arith.constant 0 : i32
      %dma_start3A_11 = tpu.memref_slice %arg3[%scan3A_6, %dma_start3A_10] : memref<26x16384xi32, #tpu.memory_space<hbm>> -> memref<1x2048xi32, #tpu.memory_space<hbm>>
      %dma_start3A_12 = tpu.memref_squeeze %dma_start3A_11 : memref<1x2048xi32, #tpu.memory_space<hbm>> -> memref<2048xi32, #tpu.memory_space<hbm>>
      %dma_start3A_13 = arith.constant 0 : i32
      %dma_start3A_14 = tpu.memref_slice %arg7[%dma_start3A, %dma_start3A_13] : memref<2x2048xi32, #tpu.memory_space<vmem>> -> memref<1x2048xi32, #tpu.memory_space<vmem>>
      %dma_start3A_15 = tpu.memref_squeeze %dma_start3A_14 : memref<1x2048xi32, #tpu.memory_space<vmem>> -> memref<2048xi32, #tpu.memory_space<vmem>>
      %dma_start3A_16 = arith.constant 0 : i32
      %dma_start3A_17 = tpu.memref_slice %arg3[%scan3A_6, %dma_start3A_16] : memref<26x16384xi32, #tpu.memory_space<hbm>> -> memref<1x2048xi32, #tpu.memory_space<hbm>>
      %dma_start3A_18 = tpu.memref_squeeze %dma_start3A_17 : memref<1x2048xi32, #tpu.memory_space<hbm>> -> memref<2048xi32, #tpu.memory_space<hbm>>
      tpu.enqueue_dma source(%dma_start3A_18 : memref<2048xi32, #tpu.memory_space<hbm>>) target(%dma_start3A_15 : memref<2048xi32, #tpu.memory_space<vmem>>) target_semaphore(%arg10 : memref<!tpu.dma_semaphore, #tpu.memory_space<semaphore_mem>>)
      %dma_wait3A = arith.constant 0 : i32
      %dma_wait3A_19 = arith.constant 0 : i32
      %dma_wait3A_20 = tpu.memref_slice %arg7[%dma_wait3A, %dma_wait3A_19] : memref<2x2048xi32, #tpu.memory_space<vmem>> -> memref<1x2048xi32, #tpu.memory_space<vmem>>
      %dma_wait3A_21 = tpu.memref_squeeze %dma_wait3A_20 : memref<1x2048xi32, #tpu.memory_space<vmem>> -> memref<2048xi32, #tpu.memory_space<vmem>>
      %dma_wait3A_22 = arith.constant 0 : i32
      %dma_wait3A_23 = tpu.memref_slice %arg3[%scan3A_6, %dma_wait3A_22] : memref<26x16384xi32, #tpu.memory_space<hbm>> -> memref<1x2048xi32, #tpu.memory_space<hbm>>
      %dma_wait3A_24 = tpu.memref_squeeze %dma_wait3A_23 : memref<1x2048xi32, #tpu.memory_space<hbm>> -> memref<2048xi32, #tpu.memory_space<hbm>>
      %dma_wait3A_25 = arith.constant 0 : i32
      %dma_wait3A_26 = tpu.memref_slice %arg7[%dma_wait3A, %dma_wait3A_25] : memref<2x2048xi32, #tpu.memory_space<vmem>> -> memref<1x2048xi32, #tpu.memory_space<vmem>>
      %dma_wait3A_27 = tpu.memref_squeeze %dma_wait3A_26 : memref<1x2048xi32, #tpu.memory_space<vmem>> -> memref<2048xi32, #tpu.memory_space<vmem>>
      %dma_wait3A_28 = arith.constant 0 : i32
      %dma_wait3A_29 = tpu.memref_slice %arg3[%scan3A_6, %dma_wait3A_28] : memref<26x16384xi32, #tpu.memory_space<hbm>> -> memref<1x2048xi32, #tpu.memory_space<hbm>>
      %dma_wait3A_30 = tpu.memref_squeeze %dma_wait3A_29 : memref<1x2048xi32, #tpu.memory_space<hbm>> -> memref<2048xi32, #tpu.memory_space<hbm>>
      tpu.wait_dma2 semaphore(%arg10 : memref<!tpu.dma_semaphore, #tpu.memory_space<semaphore_mem>>) src(%dma_wait3A_30 : memref<2048xi32, #tpu.memory_space<hbm>>) dst(%dma_wait3A_27 : memref<2048xi32, #tpu.memory_space<vmem>>)
      %dma_start3A_31 = arith.constant 1 : i32
      %dma_start3A_32 = arith.constant 0 : i32
      %dma_start3A_33 = tpu.memref_slice %arg7[%dma_start3A_31, %dma_start3A_32] : memref<2x2048xi32, #tpu.memory_space<vmem>> -> memref<1x2048xi32, #tpu.memory_space<vmem>>
      %dma_start3A_34 = tpu.memref_squeeze %dma_start3A_33 : memref<1x2048xi32, #tpu.memory_space<vmem>> -> memref<2048xi32, #tpu.memory_space<vmem>>
      %dma_start3A_35 = arith.constant 2048 : i32
      %dma_start3A_36 = tpu.memref_slice %arg3[%scan3A_6, %dma_start3A_35] : memref<26x16384xi32, #tpu.memory_space<hbm>> -> memref<1x2048xi32, #tpu.memory_space<hbm>>
      %dma_start3A_37 = tpu.memref_squeeze %dma_start3A_36 : memref<1x2048xi32, #tpu.memory_space<hbm>> -> memref<2048xi32, #tpu.memory_space<hbm>>
      %dma_start3A_38 = arith.constant 0 : i32
      %dma_start3A_39 = tpu.memref_slice %arg7[%dma_start3A_31, %dma_start3A_38] : memref<2x2048xi32, #tpu.memory_space<vmem>> -> memref<1x2048xi32, #tpu.memory_space<vmem>>
      %dma_start3A_40 = tpu.memref_squeeze %dma_start3A_39 : memref<1x2048xi32, #tpu.memory_space<vmem>> -> memref<2048xi32, #tpu.memory_space<vmem>>
      %dma_start3A_41 = arith.constant 2048 : i32
      %dma_start3A_42 = tpu.memref_slice %arg3[%scan3A_6, %dma_start3A_41] : memref<26x16384xi32, #tpu.memory_space<hbm>> -> memref<1x2048xi32, #tpu.memory_space<hbm>>
      %dma_start3A_43 = tpu.memref_squeeze %dma_start3A_42 : memref<1x2048xi32, #tpu.memory_space<hbm>> -> memref<2048xi32, #tpu.memory_space<hbm>>
      tpu.enqueue_dma source(%dma_start3A_43 : memref<2048xi32, #tpu.memory_space<hbm>>) target(%dma_start3A_40 : memref<2048xi32, #tpu.memory_space<vmem>>) target_semaphore(%arg11 : memref<!tpu.dma_semaphore, #tpu.memory_space<semaphore_mem>>)
      %parallel_loop3A = arith.constant 0 : i32
      %parallel_loop3A_44 = arith.constant 128 : i32
      %parallel_loop3A_45 = arith.constant 1 : i32
      scf.for %parallel_loop3A_444 = %parallel_loop3A to %parallel_loop3A_44 step %parallel_loop3A_45  : i32 {
        %parallel_loop3A_445 = arith.constant 16 : i32
        %parallel_loop3A_446 = arith.muli %parallel_loop3A_444, %parallel_loop3A_445 : i32
        %parallel_loop3A_447 = arith.constant 0 : i32
        %parallel_loop3A_448 = arith.index_cast %parallel_loop3A_447 : i32 to index
        %parallel_loop3A_449 = arith.index_cast %parallel_loop3A_446 : i32 to index
        %parallel_loop3A_450 = tpu.vector_load %arg7[%parallel_loop3A_448, %parallel_loop3A_449] {strides = array<i32>} : memref<2x2048xi32, #tpu.memory_space<vmem>>, vector<16xi32>,
        %parallel_loop3A_451 = tpu.vector_load_idx %arg6[%parallel_loop3A_450] : memref<100000xf32, #tpu.memory_space<vmem>>[vector<16xi32>], vector<16xf32>,
        %parallel_loop3A_452 = arith.addf %parallel_loop3A_451, %gather3A : vector<16xf32>
        %parallel_loop3A_453 = arith.constant 16 : i32
        %parallel_loop3A_454 = arith.muli %parallel_loop3A_444, %parallel_loop3A_453 : i32
        %parallel_loop3A_455 = arith.constant 0 : i32
        %parallel_loop3A_456 = arith.index_cast %parallel_loop3A_455 : i32 to index
        %parallel_loop3A_457 = arith.index_cast %parallel_loop3A_454 : i32 to index
        %parallel_loop3A_458 = tpu.vector_load %arg8[%parallel_loop3A_456, %parallel_loop3A_457] {strides = array<i32>} : memref<2x2048xf32, #tpu.memory_space<vmem>>, vector<16xf32>,
        tpu.vector_store %arg8[%parallel_loop3A_456, %parallel_loop3A_457], %parallel_loop3A_452 {strides = array<i32>} : memref<2x2048xf32, #tpu.memory_space<vmem>>, vector<16xf32>,
      } {sc.loop_unroll_factor = 8 : i64, sc.parallel_access}
      %dma_start3A_46 = arith.constant 0 : i32
      %dma_start3A_47 = arith.constant 0 : i32
      %dma_start3A_48 = tpu.memref_slice %arg8[%dma_start3A_46, %dma_start3A_47] : memref<2x2048xf32, #tpu.memory_space<vmem>> -> memref<1x2048xf32, #tpu.memory_space<vmem>>
      %dma_start3A_49 = tpu.memref_squeeze %dma_start3A_48 : memref<1x2048xf32, #tpu.memory_space<vmem>> -> memref<2048xf32, #tpu.memory_space<vmem>>
      %dma_start3A_50 = arith.constant 0 : i32
      %dma_start3A_51 = tpu.memref_slice %arg5[%scan3A_6, %add3A, %dma_start3A_50] : memref<26x32x16384xf32, #tpu.memory_space<hbm>> -> memref<1x1x2048xf32, #tpu.memory_space<hbm>>
      %dma_start3A_52 = tpu.memref_squeeze %dma_start3A_51 : memref<1x1x2048xf32, #tpu.memory_space<hbm>> -> memref<2048xf32, #tpu.memory_space<hbm>>
      %dma_start3A_53 = arith.constant 0 : i32
      %dma_start3A_54 = tpu.memref_slice %arg5[%scan3A_6, %add3A, %dma_start3A_53] : memref<26x32x16384xf32, #tpu.memory_space<hbm>> -> memref<1x1x2048xf32, #tpu.memory_space<hbm>>
      %dma_start3A_55 = tpu.memref_squeeze %dma_start3A_54 : memref<1x1x2048xf32, #tpu.memory_space<hbm>> -> memref<2048xf32, #tpu.memory_space<hbm>>
      %dma_start3A_56 = arith.constant 0 : i32
      %dma_start3A_57 = tpu.memref_slice %arg8[%dma_start3A_46, %dma_start3A_56] : memref<2x2048xf32, #tpu.memory_space<vmem>> -> memref<1x2048xf32, #tpu.memory_space<vmem>>
      %dma_start3A_58 = tpu.memref_squeeze %dma_start3A_57 : memref<1x2048xf32, #tpu.memory_space<vmem>> -> memref<2048xf32, #tpu.memory_space<vmem>>
      tpu.enqueue_dma source(%dma_start3A_58 : memref<2048xf32, #tpu.memory_space<vmem>>) target(%dma_start3A_55 : memref<2048xf32, #tpu.memory_space<hbm>>) target_semaphore(%arg12 : memref<!tpu.dma_semaphore, #tpu.memory_space<semaphore_mem>>)
      %dma_wait3A_59 = arith.constant 1 : i32
      %dma_wait3A_60 = arith.constant 0 : i32
      %dma_wait3A_61 = tpu.memref_slice %arg7[%dma_wait3A_59, %dma_wait3A_60] : memref<2x2048xi32, #tpu.memory_space<vmem>> -> memref<1x2048xi32, #tpu.memory_space<vmem>>
      %dma_wait3A_62 = tpu.memref_squeeze %dma_wait3A_61 : memref<1x2048xi32, #tpu.memory_space<vmem>> -> memref<2048xi32, #tpu.memory_space<vmem>>
      %dma_wait3A_63 = arith.constant 2048 : i32
      %dma_wait3A_64 = tpu.memref_slice %arg3[%scan3A_6, %dma_wait3A_63] : memref<26x16384xi32, #tpu.memory_space<hbm>> -> memref<1x2048xi32, #tpu.memory_space<hbm>>
      %dma_wait3A_65 = tpu.memref_squeeze %dma_wait3A_64 : memref<1x2048xi32, #tpu.memory_space<hbm>> -> memref<2048xi32, #tpu.memory_space<hbm>>
      %dma_wait3A_66 = arith.constant 0 : i32
      %dma_wait3A_67 = tpu.memref_slice %arg7[%dma_wait3A_59, %dma_wait3A_66] : memref<2x2048xi32, #tpu.memory_space<vmem>> -> memref<1x2048xi32, #tpu.memory_space<vmem>>
      %dma_wait3A_68 = tpu.memref_squeeze %dma_wait3A_67 : memref<1x2048xi32, #tpu.memory_space<vmem>> -> memref<2048xi32, #tpu.memory_space<vmem>>
      %dma_wait3A_69 = arith.constant 2048 : i32
      %dma_wait3A_70 = tpu.memref_slice %arg3[%scan3A_6, %dma_wait3A_69] : memref<26x16384xi32, #tpu.memory_space<hbm>> -> memref<1x2048xi32, #tpu.memory_space<hbm>>
      %dma_wait3A_71 = tpu.memref_squeeze %dma_wait3A_70 : memref<1x2048xi32, #tpu.memory_space<hbm>> -> memref<2048xi32, #tpu.memory_space<hbm>>
      tpu.wait_dma2 semaphore(%arg11 : memref<!tpu.dma_semaphore, #tpu.memory_space<semaphore_mem>>) src(%dma_wait3A_71 : memref<2048xi32, #tpu.memory_space<hbm>>) dst(%dma_wait3A_68 : memref<2048xi32, #tpu.memory_space<vmem>>)
      %dma_start3A_72 = arith.constant 0 : i32
      %dma_start3A_73 = arith.constant 0 : i32
      %dma_start3A_74 = tpu.memref_slice %arg7[%dma_start3A_72, %dma_start3A_73] : memref<2x2048xi32, #tpu.memory_space<vmem>> -> memref<1x2048xi32, #tpu.memory_space<vmem>>
      %dma_start3A_75 = tpu.memref_squeeze %dma_start3A_74 : memref<1x2048xi32, #tpu.memory_space<vmem>> -> memref<2048xi32, #tpu.memory_space<vmem>>
      %dma_start3A_76 = arith.constant 4096 : i32
      %dma_start3A_77 = tpu.memref_slice %arg3[%scan3A_6, %dma_start3A_76] : memref<26x16384xi32, #tpu.memory_space<hbm>> -> memref<1x2048xi32, #tpu.memory_space<hbm>>
      %dma_start3A_78 = tpu.memref_squeeze %dma_start3A_77 : memref<1x2048xi32, #tpu.memory_space<hbm>> -> memref<2048xi32, #tpu.memory_space<hbm>>
      %dma_start3A_79 = arith.constant 0 : i32
      %dma_start3A_80 = tpu.memref_slice %arg7[%dma_start3A_72, %dma_start3A_79] : memref<2x2048xi32, #tpu.memory_space<vmem>> -> memref<1x2048xi32, #tpu.memory_space<vmem>>
      %dma_start3A_81 = tpu.memref_squeeze %dma_start3A_80 : memref<1x2048xi32, #tpu.memory_space<vmem>> -> memref<2048xi32, #tpu.memory_space<vmem>>
      %dma_start3A_82 = arith.constant 4096 : i32
      %dma_start3A_83 = tpu.memref_slice %arg3[%scan3A_6, %dma_start3A_82] : memref<26x16384xi32, #tpu.memory_space<hbm>> -> memref<1x2048xi32, #tpu.memory_space<hbm>>
      %dma_start3A_84 = tpu.memref_squeeze %dma_start3A_83 : memref<1x2048xi32, #tpu.memory_space<hbm>> -> memref<2048xi32, #tpu.memory_space<hbm>>
      tpu.enqueue_dma source(%dma_start3A_84 : memref<2048xi32, #tpu.memory_space<hbm>>) target(%dma_start3A_81 : memref<2048xi32, #tpu.memory_space<vmem>>) target_semaphore(%arg10 : memref<!tpu.dma_semaphore, #tpu.memory_space<semaphore_mem>>)
      %parallel_loop3A_85 = arith.constant 0 : i32
      %parallel_loop3A_86 = arith.constant 128 : i32
      %parallel_loop3A_87 = arith.constant 1 : i32
      scf.for %parallel_loop3A_444 = %parallel_loop3A_85 to %parallel_loop3A_86 step %parallel_loop3A_87  : i32 {
        %parallel_loop3A_445 = arith.constant 16 : i32
        %parallel_loop3A_446 = arith.muli %parallel_loop3A_444, %parallel_loop3A_445 : i32
        %parallel_loop3A_447 = arith.constant 1 : i32
        %parallel_loop3A_448 = arith.index_cast %parallel_loop3A_447 : i32 to index
        %parallel_loop3A_449 = arith.index_cast %parallel_loop3A_446 : i32 to index
        %parallel_loop3A_450 = tpu.vector_load %arg7[%parallel_loop3A_448, %parallel_loop3A_449] {strides = array<i32>} : memref<2x2048xi32, #tpu.memory_space<vmem>>, vector<16xi32>,
        %parallel_loop3A_451 = tpu.vector_load_idx %arg6[%parallel_loop3A_450] : memref<100000xf32, #tpu.memory_space<vmem>>[vector<16xi32>], vector<16xf32>,
        %parallel_loop3A_452 = arith.addf %parallel_loop3A_451, %gather3A : vector<16xf32>
        %parallel_loop3A_453 = arith.constant 16 : i32
        %parallel_loop3A_454 = arith.muli %parallel_loop3A_444, %parallel_loop3A_453 : i32
        %parallel_loop3A_455 = arith.constant 1 : i32
        %parallel_loop3A_456 = arith.index_cast %parallel_loop3A_455 : i32 to index
        %parallel_loop3A_457 = arith.index_cast %parallel_loop3A_454 : i32 to index
        %parallel_loop3A_458 = tpu.vector_load %arg8[%parallel_loop3A_456, %parallel_loop3A_457] {strides = array<i32>} : memref<2x2048xf32, #tpu.memory_space<vmem>>, vector<16xf32>,
        tpu.vector_store %arg8[%parallel_loop3A_456, %parallel_loop3A_457], %parallel_loop3A_452 {strides = array<i32>} : memref<2x2048xf32, #tpu.memory_space<vmem>>, vector<16xf32>,
      } {sc.loop_unroll_factor = 8 : i64, sc.parallel_access}
      %dma_start3A_88 = arith.constant 1 : i32
      %dma_start3A_89 = arith.constant 0 : i32
      %dma_start3A_90 = tpu.memref_slice %arg8[%dma_start3A_88, %dma_start3A_89] : memref<2x2048xf32, #tpu.memory_space<vmem>> -> memref<1x2048xf32, #tpu.memory_space<vmem>>
      %dma_start3A_91 = tpu.memref_squeeze %dma_start3A_90 : memref<1x2048xf32, #tpu.memory_space<vmem>> -> memref<2048xf32, #tpu.memory_space<vmem>>
      %dma_start3A_92 = arith.constant 2048 : i32
      %dma_start3A_93 = tpu.memref_slice %arg5[%scan3A_6, %add3A, %dma_start3A_92] : memref<26x32x16384xf32, #tpu.memory_space<hbm>> -> memref<1x1x2048xf32, #tpu.memory_space<hbm>>
      %dma_start3A_94 = tpu.memref_squeeze %dma_start3A_93 : memref<1x1x2048xf32, #tpu.memory_space<hbm>> -> memref<2048xf32, #tpu.memory_space<hbm>>
      %dma_start3A_95 = arith.constant 2048 : i32
      %dma_start3A_96 = tpu.memref_slice %arg5[%scan3A_6, %add3A, %dma_start3A_95] : memref<26x32x16384xf32, #tpu.memory_space<hbm>> -> memref<1x1x2048xf32, #tpu.memory_space<hbm>>
      %dma_start3A_97 = tpu.memref_squeeze %dma_start3A_96 : memref<1x1x2048xf32, #tpu.memory_space<hbm>> -> memref<2048xf32, #tpu.memory_space<hbm>>
      %dma_start3A_98 = arith.constant 0 : i32
      %dma_start3A_99 = tpu.memref_slice %arg8[%dma_start3A_88, %dma_start3A_98] : memref<2x2048xf32, #tpu.memory_space<vmem>> -> memref<1x2048xf32, #tpu.memory_space<vmem>>
      %dma_start3A_100 = tpu.memref_squeeze %dma_start3A_99 : memref<1x2048xf32, #tpu.memory_space<vmem>> -> memref<2048xf32, #tpu.memory_space<vmem>>
      tpu.enqueue_dma source(%dma_start3A_100 : memref<2048xf32, #tpu.memory_space<vmem>>) target(%dma_start3A_97 : memref<2048xf32, #tpu.memory_space<hbm>>) target_semaphore(%arg13 : memref<!tpu.dma_semaphore, #tpu.memory_space<semaphore_mem>>)
      %dma_wait3A_101 = arith.constant 0 : i32
      %dma_wait3A_102 = arith.constant 0 : i32
      %dma_wait3A_103 = tpu.memref_slice %arg7[%dma_wait3A_101, %dma_wait3A_102] : memref<2x2048xi32, #tpu.memory_space<vmem>> -> memref<1x2048xi32, #tpu.memory_space<vmem>>
      %dma_wait3A_104 = tpu.memref_squeeze %dma_wait3A_103 : memref<1x2048xi32, #tpu.memory_space<vmem>> -> memref<2048xi32, #tpu.memory_space<vmem>>
      %dma_wait3A_105 = arith.constant 4096 : i32
      %dma_wait3A_106 = tpu.memref_slice %arg3[%scan3A_6, %dma_wait3A_105] : memref<26x16384xi32, #tpu.memory_space<hbm>> -> memref<1x2048xi32, #tpu.memory_space<hbm>>
      %dma_wait3A_107 = tpu.memref_squeeze %dma_wait3A_106 : memref<1x2048xi32, #tpu.memory_space<hbm>> -> memref<2048xi32, #tpu.memory_space<hbm>>
      %dma_wait3A_108 = arith.constant 0 : i32
      %dma_wait3A_109 = tpu.memref_slice %arg7[%dma_wait3A_101, %dma_wait3A_108] : memref<2x2048xi32, #tpu.memory_space<vmem>> -> memref<1x2048xi32, #tpu.memory_space<vmem>>
      %dma_wait3A_110 = tpu.memref_squeeze %dma_wait3A_109 : memref<1x2048xi32, #tpu.memory_space<vmem>> -> memref<2048xi32, #tpu.memory_space<vmem>>
      %dma_wait3A_111 = arith.constant 4096 : i32
      %dma_wait3A_112 = tpu.memref_slice %arg3[%scan3A_6, %dma_wait3A_111] : memref<26x16384xi32, #tpu.memory_space<hbm>> -> memref<1x2048xi32, #tpu.memory_space<hbm>>
      %dma_wait3A_113 = tpu.memref_squeeze %dma_wait3A_112 : memref<1x2048xi32, #tpu.memory_space<hbm>> -> memref<2048xi32, #tpu.memory_space<hbm>>
      tpu.wait_dma2 semaphore(%arg10 : memref<!tpu.dma_semaphore, #tpu.memory_space<semaphore_mem>>) src(%dma_wait3A_113 : memref<2048xi32, #tpu.memory_space<hbm>>) dst(%dma_wait3A_110 : memref<2048xi32, #tpu.memory_space<vmem>>)
      %dma_start3A_114 = arith.constant 1 : i32
      %dma_start3A_115 = arith.constant 0 : i32
      %dma_start3A_116 = tpu.memref_slice %arg7[%dma_start3A_114, %dma_start3A_115] : memref<2x2048xi32, #tpu.memory_space<vmem>> -> memref<1x2048xi32, #tpu.memory_space<vmem>>
      %dma_start3A_117 = tpu.memref_squeeze %dma_start3A_116 : memref<1x2048xi32, #tpu.memory_space<vmem>> -> memref<2048xi32, #tpu.memory_space<vmem>>
      %dma_start3A_118 = arith.constant 6144 : i32
      %dma_start3A_119 = tpu.memref_slice %arg3[%scan3A_6, %dma_start3A_118] : memref<26x16384xi32, #tpu.memory_space<hbm>> -> memref<1x2048xi32, #tpu.memory_space<hbm>>
      %dma_start3A_120 = tpu.memref_squeeze %dma_start3A_119 : memref<1x2048xi32, #tpu.memory_space<hbm>> -> memref<2048xi32, #tpu.memory_space<hbm>>
      %dma_start3A_121 = arith.constant 0 : i32
      %dma_start3A_122 = tpu.memref_slice %arg7[%dma_start3A_114, %dma_start3A_121] : memref<2x2048xi32, #tpu.memory_space<vmem>> -> memref<1x2048xi32, #tpu.memory_space<vmem>>
      %dma_start3A_123 = tpu.memref_squeeze %dma_start3A_122 : memref<1x2048xi32, #tpu.memory_space<vmem>> -> memref<2048xi32, #tpu.memory_space<vmem>>
      %dma_start3A_124 = arith.constant 6144 : i32
      %dma_start3A_125 = tpu.memref_slice %arg3[%scan3A_6, %dma_start3A_124] : memref<26x16384xi32, #tpu.memory_space<hbm>> -> memref<1x2048xi32, #tpu.memory_space<hbm>>
      %dma_start3A_126 = tpu.memref_squeeze %dma_start3A_125 : memref<1x2048xi32, #tpu.memory_space<hbm>> -> memref<2048xi32, #tpu.memory_space<hbm>>
      tpu.enqueue_dma source(%dma_start3A_126 : memref<2048xi32, #tpu.memory_space<hbm>>) target(%dma_start3A_123 : memref<2048xi32, #tpu.memory_space<vmem>>) target_semaphore(%arg11 : memref<!tpu.dma_semaphore, #tpu.memory_space<semaphore_mem>>)
      %dma_wait3A_127 = arith.constant 0 : i32
      %dma_wait3A_128 = arith.constant 0 : i32
      %dma_wait3A_129 = tpu.memref_slice %arg8[%dma_wait3A_127, %dma_wait3A_128] : memref<2x2048xf32, #tpu.memory_space<vmem>> -> memref<1x2048xf32, #tpu.memory_space<vmem>>
      %dma_wait3A_130 = tpu.memref_squeeze %dma_wait3A_129 : memref<1x2048xf32, #tpu.memory_space<vmem>> -> memref<2048xf32, #tpu.memory_space<vmem>>
      %dma_wait3A_131 = arith.constant 0 : i32
      %dma_wait3A_132 = tpu.memref_slice %arg5[%scan3A_6, %add3A, %dma_wait3A_131] : memref<26x32x16384xf32, #tpu.memory_space<hbm>> -> memref<1x1x2048xf32, #tpu.memory_space<hbm>>
      %dma_wait3A_133 = tpu.memref_squeeze %dma_wait3A_132 : memref<1x1x2048xf32, #tpu.memory_space<hbm>> -> memref<2048xf32, #tpu.memory_space<hbm>>
      %dma_wait3A_134 = arith.constant 0 : i32
      %dma_wait3A_135 = tpu.memref_slice %arg5[%scan3A_6, %add3A, %dma_wait3A_134] : memref<26x32x16384xf32, #tpu.memory_space<hbm>> -> memref<1x1x2048xf32, #tpu.memory_space<hbm>>
      %dma_wait3A_136 = tpu.memref_squeeze %dma_wait3A_135 : memref<1x1x2048xf32, #tpu.memory_space<hbm>> -> memref<2048xf32, #tpu.memory_space<hbm>>
      %dma_wait3A_137 = arith.constant 0 : i32
      %dma_wait3A_138 = tpu.memref_slice %arg8[%dma_wait3A_127, %dma_wait3A_137] : memref<2x2048xf32, #tpu.memory_space<vmem>> -> memref<1x2048xf32, #tpu.memory_space<vmem>>
      %dma_wait3A_139 = tpu.memref_squeeze %dma_wait3A_138 : memref<1x2048xf32, #tpu.memory_space<vmem>> -> memref<2048xf32, #tpu.memory_space<vmem>>
      tpu.wait_dma2 semaphore(%arg12 : memref<!tpu.dma_semaphore, #tpu.memory_space<semaphore_mem>>) src(%dma_wait3A_139 : memref<2048xf32, #tpu.memory_space<vmem>>) dst(%dma_wait3A_136 : memref<2048xf32, #tpu.memory_space<hbm>>)
      %parallel_loop3A_140 = arith.constant 0 : i32
      %parallel_loop3A_141 = arith.constant 128 : i32
      %parallel_loop3A_142 = arith.constant 1 : i32
      scf.for %parallel_loop3A_444 = %parallel_loop3A_140 to %parallel_loop3A_141 step %parallel_loop3A_142  : i32 {
        %parallel_loop3A_445 = arith.constant 16 : i32
        %parallel_loop3A_446 = arith.muli %parallel_loop3A_444, %parallel_loop3A_445 : i32
        %parallel_loop3A_447 = arith.constant 0 : i32
        %parallel_loop3A_448 = arith.index_cast %parallel_loop3A_447 : i32 to index
        %parallel_loop3A_449 = arith.index_cast %parallel_loop3A_446 : i32 to index
        %parallel_loop3A_450 = tpu.vector_load %arg7[%parallel_loop3A_448, %parallel_loop3A_449] {strides = array<i32>} : memref<2x2048xi32, #tpu.memory_space<vmem>>, vector<16xi32>,
        %parallel_loop3A_451 = tpu.vector_load_idx %arg6[%parallel_loop3A_450] : memref<100000xf32, #tpu.memory_space<vmem>>[vector<16xi32>], vector<16xf32>,
        %parallel_loop3A_452 = arith.addf %parallel_loop3A_451, %gather3A : vector<16xf32>
        %parallel_loop3A_453 = arith.constant 16 : i32
        %parallel_loop3A_454 = arith.muli %parallel_loop3A_444, %parallel_loop3A_453 : i32
        %parallel_loop3A_455 = arith.constant 0 : i32
        %parallel_loop3A_456 = arith.index_cast %parallel_loop3A_455 : i32 to index
        %parallel_loop3A_457 = arith.index_cast %parallel_loop3A_454 : i32 to index
        %parallel_loop3A_458 = tpu.vector_load %arg8[%parallel_loop3A_456, %parallel_loop3A_457] {strides = array<i32>} : memref<2x2048xf32, #tpu.memory_space<vmem>>, vector<16xf32>,
        tpu.vector_store %arg8[%parallel_loop3A_456, %parallel_loop3A_457], %parallel_loop3A_452 {strides = array<i32>} : memref<2x2048xf32, #tpu.memory_space<vmem>>, vector<16xf32>,
      } {sc.loop_unroll_factor = 8 : i64, sc.parallel_access}
      %dma_start3A_143 = arith.constant 0 : i32
      %dma_start3A_144 = arith.constant 0 : i32
      %dma_start3A_145 = tpu.memref_slice %arg8[%dma_start3A_143, %dma_start3A_144] : memref<2x2048xf32, #tpu.memory_space<vmem>> -> memref<1x2048xf32, #tpu.memory_space<vmem>>
      %dma_start3A_146 = tpu.memref_squeeze %dma_start3A_145 : memref<1x2048xf32, #tpu.memory_space<vmem>> -> memref<2048xf32, #tpu.memory_space<vmem>>
      %dma_start3A_147 = arith.constant 4096 : i32
      %dma_start3A_148 = tpu.memref_slice %arg5[%scan3A_6, %add3A, %dma_start3A_147] : memref<26x32x16384xf32, #tpu.memory_space<hbm>> -> memref<1x1x2048xf32, #tpu.memory_space<hbm>>
      %dma_start3A_149 = tpu.memref_squeeze %dma_start3A_148 : memref<1x1x2048xf32, #tpu.memory_space<hbm>> -> memref<2048xf32, #tpu.memory_space<hbm>>
      %dma_start3A_150 = arith.constant 4096 : i32
      %dma_start3A_151 = tpu.memref_slice %arg5[%scan3A_6, %add3A, %dma_start3A_150] : memref<26x32x16384xf32, #tpu.memory_space<hbm>> -> memref<1x1x2048xf32, #tpu.memory_space<hbm>>
      %dma_start3A_152 = tpu.memref_squeeze %dma_start3A_151 : memref<1x1x2048xf32, #tpu.memory_space<hbm>> -> memref<2048xf32, #tpu.memory_space<hbm>>
      %dma_start3A_153 = arith.constant 0 : i32
      %dma_start3A_154 = tpu.memref_slice %arg8[%dma_start3A_143, %dma_start3A_153] : memref<2x2048xf32, #tpu.memory_space<vmem>> -> memref<1x2048xf32, #tpu.memory_space<vmem>>
      %dma_start3A_155 = tpu.memref_squeeze %dma_start3A_154 : memref<1x2048xf32, #tpu.memory_space<vmem>> -> memref<2048xf32, #tpu.memory_space<vmem>>
      tpu.enqueue_dma source(%dma_start3A_155 : memref<2048xf32, #tpu.memory_space<vmem>>) target(%dma_start3A_152 : memref<2048xf32, #tpu.memory_space<hbm>>) target_semaphore(%arg12 : memref<!tpu.dma_semaphore, #tpu.memory_space<semaphore_mem>>)
      %dma_wait3A_156 = arith.constant 1 : i32
      %dma_wait3A_157 = arith.constant 0 : i32
      %dma_wait3A_158 = tpu.memref_slice %arg7[%dma_wait3A_156, %dma_wait3A_157] : memref<2x2048xi32, #tpu.memory_space<vmem>> -> memref<1x2048xi32, #tpu.memory_space<vmem>>
      %dma_wait3A_159 = tpu.memref_squeeze %dma_wait3A_158 : memref<1x2048xi32, #tpu.memory_space<vmem>> -> memref<2048xi32, #tpu.memory_space<vmem>>
      %dma_wait3A_160 = arith.constant 6144 : i32
      %dma_wait3A_161 = tpu.memref_slice %arg3[%scan3A_6, %dma_wait3A_160] : memref<26x16384xi32, #tpu.memory_space<hbm>> -> memref<1x2048xi32, #tpu.memory_space<hbm>>
      %dma_wait3A_162 = tpu.memref_squeeze %dma_wait3A_161 : memref<1x2048xi32, #tpu.memory_space<hbm>> -> memref<2048xi32, #tpu.memory_space<hbm>>
      %dma_wait3A_163 = arith.constant 0 : i32
      %dma_wait3A_164 = tpu.memref_slice %arg7[%dma_wait3A_156, %dma_wait3A_163] : memref<2x2048xi32, #tpu.memory_space<vmem>> -> memref<1x2048xi32, #tpu.memory_space<vmem>>
      %dma_wait3A_165 = tpu.memref_squeeze %dma_wait3A_164 : memref<1x2048xi32, #tpu.memory_space<vmem>> -> memref<2048xi32, #tpu.memory_space<vmem>>
      %dma_wait3A_166 = arith.constant 6144 : i32
      %dma_wait3A_167 = tpu.memref_slice %arg3[%scan3A_6, %dma_wait3A_166] : memref<26x16384xi32, #tpu.memory_space<hbm>> -> memref<1x2048xi32, #tpu.memory_space<hbm>>
      %dma_wait3A_168 = tpu.memref_squeeze %dma_wait3A_167 : memref<1x2048xi32, #tpu.memory_space<hbm>> -> memref<2048xi32, #tpu.memory_space<hbm>>
      tpu.wait_dma2 semaphore(%arg11 : memref<!tpu.dma_semaphore, #tpu.memory_space<semaphore_mem>>) src(%dma_wait3A_168 : memref<2048xi32, #tpu.memory_space<hbm>>) dst(%dma_wait3A_165 : memref<2048xi32, #tpu.memory_space<vmem>>)
      %dma_start3A_169 = arith.constant 0 : i32
      %dma_start3A_170 = arith.constant 0 : i32
      %dma_start3A_171 = tpu.memref_slice %arg7[%dma_start3A_169, %dma_start3A_170] : memref<2x2048xi32, #tpu.memory_space<vmem>> -> memref<1x2048xi32, #tpu.memory_space<vmem>>
      %dma_start3A_172 = tpu.memref_squeeze %dma_start3A_171 : memref<1x2048xi32, #tpu.memory_space<vmem>> -> memref<2048xi32, #tpu.memory_space<vmem>>
      %dma_start3A_173 = arith.constant 8192 : i32
      %dma_start3A_174 = tpu.memref_slice %arg3[%scan3A_6, %dma_start3A_173] : memref<26x16384xi32, #tpu.memory_space<hbm>> -> memref<1x2048xi32, #tpu.memory_space<hbm>>
      %dma_start3A_175 = tpu.memref_squeeze %dma_start3A_174 : memref<1x2048xi32, #tpu.memory_space<hbm>> -> memref<2048xi32, #tpu.memory_space<hbm>>
      %dma_start3A_176 = arith.constant 0 : i32
      %dma_start3A_177 = tpu.memref_slice %arg7[%dma_start3A_169, %dma_start3A_176] : memref<2x2048xi32, #tpu.memory_space<vmem>> -> memref<1x2048xi32, #tpu.memory_space<vmem>>
      %dma_start3A_178 = tpu.memref_squeeze %dma_start3A_177 : memref<1x2048xi32, #tpu.memory_space<vmem>> -> memref<2048xi32, #tpu.memory_space<vmem>>
      %dma_start3A_179 = arith.constant 8192 : i32
      %dma_start3A_180 = tpu.memref_slice %arg3[%scan3A_6, %dma_start3A_179] : memref<26x16384xi32, #tpu.memory_space<hbm>> -> memref<1x2048xi32, #tpu.memory_space<hbm>>
      %dma_start3A_181 = tpu.memref_squeeze %dma_start3A_180 : memref<1x2048xi32, #tpu.memory_space<hbm>> -> memref<2048xi32, #tpu.memory_space<hbm>>
      tpu.enqueue_dma source(%dma_start3A_181 : memref<2048xi32, #tpu.memory_space<hbm>>) target(%dma_start3A_178 : memref<2048xi32, #tpu.memory_space<vmem>>) target_semaphore(%arg10 : memref<!tpu.dma_semaphore, #tpu.memory_space<semaphore_mem>>)
      %dma_wait3A_182 = arith.constant 1 : i32
      %dma_wait3A_183 = arith.constant 0 : i32
      %dma_wait3A_184 = tpu.memref_slice %arg8[%dma_wait3A_182, %dma_wait3A_183] : memref<2x2048xf32, #tpu.memory_space<vmem>> -> memref<1x2048xf32, #tpu.memory_space<vmem>>
      %dma_wait3A_185 = tpu.memref_squeeze %dma_wait3A_184 : memref<1x2048xf32, #tpu.memory_space<vmem>> -> memref<2048xf32, #tpu.memory_space<vmem>>
      %dma_wait3A_186 = arith.constant 2048 : i32
      %dma_wait3A_187 = tpu.memref_slice %arg5[%scan3A_6, %add3A, %dma_wait3A_186] : memref<26x32x16384xf32, #tpu.memory_space<hbm>> -> memref<1x1x2048xf32, #tpu.memory_space<hbm>>
      %dma_wait3A_188 = tpu.memref_squeeze %dma_wait3A_187 : memref<1x1x2048xf32, #tpu.memory_space<hbm>> -> memref<2048xf32, #tpu.memory_space<hbm>>
      %dma_wait3A_189 = arith.constant 2048 : i32
      %dma_wait3A_190 = tpu.memref_slice %arg5[%scan3A_6, %add3A, %dma_wait3A_189] : memref<26x32x16384xf32, #tpu.memory_space<hbm>> -> memref<1x1x2048xf32, #tpu.memory_space<hbm>>
      %dma_wait3A_191 = tpu.memref_squeeze %dma_wait3A_190 : memref<1x1x2048xf32, #tpu.memory_space<hbm>> -> memref<2048xf32, #tpu.memory_space<hbm>>
      %dma_wait3A_192 = arith.constant 0 : i32
      %dma_wait3A_193 = tpu.memref_slice %arg8[%dma_wait3A_182, %dma_wait3A_192] : memref<2x2048xf32, #tpu.memory_space<vmem>> -> memref<1x2048xf32, #tpu.memory_space<vmem>>
      %dma_wait3A_194 = tpu.memref_squeeze %dma_wait3A_193 : memref<1x2048xf32, #tpu.memory_space<vmem>> -> memref<2048xf32, #tpu.memory_space<vmem>>
      tpu.wait_dma2 semaphore(%arg13 : memref<!tpu.dma_semaphore, #tpu.memory_space<semaphore_mem>>) src(%dma_wait3A_194 : memref<2048xf32, #tpu.memory_space<vmem>>) dst(%dma_wait3A_191 : memref<2048xf32, #tpu.memory_space<hbm>>)
      %parallel_loop3A_195 = arith.constant 0 : i32
      %parallel_loop3A_196 = arith.constant 128 : i32
      %parallel_loop3A_197 = arith.constant 1 : i32
      scf.for %parallel_loop3A_444 = %parallel_loop3A_195 to %parallel_loop3A_196 step %parallel_loop3A_197  : i32 {
        %parallel_loop3A_445 = arith.constant 16 : i32
        %parallel_loop3A_446 = arith.muli %parallel_loop3A_444, %parallel_loop3A_445 : i32
        %parallel_loop3A_447 = arith.constant 1 : i32
        %parallel_loop3A_448 = arith.index_cast %parallel_loop3A_447 : i32 to index
        %parallel_loop3A_449 = arith.index_cast %parallel_loop3A_446 : i32 to index
        %parallel_loop3A_450 = tpu.vector_load %arg7[%parallel_loop3A_448, %parallel_loop3A_449] {strides = array<i32>} : memref<2x2048xi32, #tpu.memory_space<vmem>>, vector<16xi32>,
        %parallel_loop3A_451 = tpu.vector_load_idx %arg6[%parallel_loop3A_450] : memref<100000xf32, #tpu.memory_space<vmem>>[vector<16xi32>], vector<16xf32>,
        %parallel_loop3A_452 = arith.addf %parallel_loop3A_451, %gather3A : vector<16xf32>
        %parallel_loop3A_453 = arith.constant 16 : i32
        %parallel_loop3A_454 = arith.muli %parallel_loop3A_444, %parallel_loop3A_453 : i32
        %parallel_loop3A_455 = arith.constant 1 : i32
        %parallel_loop3A_456 = arith.index_cast %parallel_loop3A_455 : i32 to index
        %parallel_loop3A_457 = arith.index_cast %parallel_loop3A_454 : i32 to index
        %parallel_loop3A_458 = tpu.vector_load %arg8[%parallel_loop3A_456, %parallel_loop3A_457] {strides = array<i32>} : memref<2x2048xf32, #tpu.memory_space<vmem>>, vector<16xf32>,
        tpu.vector_store %arg8[%parallel_loop3A_456, %parallel_loop3A_457], %parallel_loop3A_452 {strides = array<i32>} : memref<2x2048xf32, #tpu.memory_space<vmem>>, vector<16xf32>,
      } {sc.loop_unroll_factor = 8 : i64, sc.parallel_access}
      %dma_start3A_198 = arith.constant 1 : i32
      %dma_start3A_199 = arith.constant 0 : i32
      %dma_start3A_200 = tpu.memref_slice %arg8[%dma_start3A_198, %dma_start3A_199] : memref<2x2048xf32, #tpu.memory_space<vmem>> -> memref<1x2048xf32, #tpu.memory_space<vmem>>
      %dma_start3A_201 = tpu.memref_squeeze %dma_start3A_200 : memref<1x2048xf32, #tpu.memory_space<vmem>> -> memref<2048xf32, #tpu.memory_space<vmem>>
      %dma_start3A_202 = arith.constant 6144 : i32
      %dma_start3A_203 = tpu.memref_slice %arg5[%scan3A_6, %add3A, %dma_start3A_202] : memref<26x32x16384xf32, #tpu.memory_space<hbm>> -> memref<1x1x2048xf32, #tpu.memory_space<hbm>>
      %dma_start3A_204 = tpu.memref_squeeze %dma_start3A_203 : memref<1x1x2048xf32, #tpu.memory_space<hbm>> -> memref<2048xf32, #tpu.memory_space<hbm>>
      %dma_start3A_205 = arith.constant 6144 : i32
      %dma_start3A_206 = tpu.memref_slice %arg5[%scan3A_6, %add3A, %dma_start3A_205] : memref<26x32x16384xf32, #tpu.memory_space<hbm>> -> memref<1x1x2048xf32, #tpu.memory_space<hbm>>
      %dma_start3A_207 = tpu.memref_squeeze %dma_start3A_206 : memref<1x1x2048xf32, #tpu.memory_space<hbm>> -> memref<2048xf32, #tpu.memory_space<hbm>>
      %dma_start3A_208 = arith.constant 0 : i32
      %dma_start3A_209 = tpu.memref_slice %arg8[%dma_start3A_198, %dma_start3A_208] : memref<2x2048xf32, #tpu.memory_space<vmem>> -> memref<1x2048xf32, #tpu.memory_space<vmem>>
      %dma_start3A_210 = tpu.memref_squeeze %dma_start3A_209 : memref<1x2048xf32, #tpu.memory_space<vmem>> -> memref<2048xf32, #tpu.memory_space<vmem>>
      tpu.enqueue_dma source(%dma_start3A_210 : memref<2048xf32, #tpu.memory_space<vmem>>) target(%dma_start3A_207 : memref<2048xf32, #tpu.memory_space<hbm>>) target_semaphore(%arg13 : memref<!tpu.dma_semaphore, #tpu.memory_space<semaphore_mem>>)
      %dma_wait3A_211 = arith.constant 0 : i32
      %dma_wait3A_212 = arith.constant 0 : i32
      %dma_wait3A_213 = tpu.memref_slice %arg7[%dma_wait3A_211, %dma_wait3A_212] : memref<2x2048xi32, #tpu.memory_space<vmem>> -> memref<1x2048xi32, #tpu.memory_space<vmem>>
      %dma_wait3A_214 = tpu.memref_squeeze %dma_wait3A_213 : memref<1x2048xi32, #tpu.memory_space<vmem>> -> memref<2048xi32, #tpu.memory_space<vmem>>
      %dma_wait3A_215 = arith.constant 8192 : i32
      %dma_wait3A_216 = tpu.memref_slice %arg3[%scan3A_6, %dma_wait3A_215] : memref<26x16384xi32, #tpu.memory_space<hbm>> -> memref<1x2048xi32, #tpu.memory_space<hbm>>
      %dma_wait3A_217 = tpu.memref_squeeze %dma_wait3A_216 : memref<1x2048xi32, #tpu.memory_space<hbm>> -> memref<2048xi32, #tpu.memory_space<hbm>>
      %dma_wait3A_218 = arith.constant 0 : i32
      %dma_wait3A_219 = tpu.memref_slice %arg7[%dma_wait3A_211, %dma_wait3A_218] : memref<2x2048xi32, #tpu.memory_space<vmem>> -> memref<1x2048xi32, #tpu.memory_space<vmem>>
      %dma_wait3A_220 = tpu.memref_squeeze %dma_wait3A_219 : memref<1x2048xi32, #tpu.memory_space<vmem>> -> memref<2048xi32, #tpu.memory_space<vmem>>
      %dma_wait3A_221 = arith.constant 8192 : i32
      %dma_wait3A_222 = tpu.memref_slice %arg3[%scan3A_6, %dma_wait3A_221] : memref<26x16384xi32, #tpu.memory_space<hbm>> -> memref<1x2048xi32, #tpu.memory_space<hbm>>
      %dma_wait3A_223 = tpu.memref_squeeze %dma_wait3A_222 : memref<1x2048xi32, #tpu.memory_space<hbm>> -> memref<2048xi32, #tpu.memory_space<hbm>>
      tpu.wait_dma2 semaphore(%arg10 : memref<!tpu.dma_semaphore, #tpu.memory_space<semaphore_mem>>) src(%dma_wait3A_223 : memref<2048xi32, #tpu.memory_space<hbm>>) dst(%dma_wait3A_220 : memref<2048xi32, #tpu.memory_space<vmem>>)
      %dma_start3A_224 = arith.constant 1 : i32
      %dma_start3A_225 = arith.constant 0 : i32
      %dma_start3A_226 = tpu.memref_slice %arg7[%dma_start3A_224, %dma_start3A_225] : memref<2x2048xi32, #tpu.memory_space<vmem>> -> memref<1x2048xi32, #tpu.memory_space<vmem>>
      %dma_start3A_227 = tpu.memref_squeeze %dma_start3A_226 : memref<1x2048xi32, #tpu.memory_space<vmem>> -> memref<2048xi32, #tpu.memory_space<vmem>>
      %dma_start3A_228 = arith.constant 10240 : i32
      %dma_start3A_229 = tpu.memref_slice %arg3[%scan3A_6, %dma_start3A_228] : memref<26x16384xi32, #tpu.memory_space<hbm>> -> memref<1x2048xi32, #tpu.memory_space<hbm>>
      %dma_start3A_230 = tpu.memref_squeeze %dma_start3A_229 : memref<1x2048xi32, #tpu.memory_space<hbm>> -> memref<2048xi32, #tpu.memory_space<hbm>>
      %dma_start3A_231 = arith.constant 0 : i32
      %dma_start3A_232 = tpu.memref_slice %arg7[%dma_start3A_224, %dma_start3A_231] : memref<2x2048xi32, #tpu.memory_space<vmem>> -> memref<1x2048xi32, #tpu.memory_space<vmem>>
      %dma_start3A_233 = tpu.memref_squeeze %dma_start3A_232 : memref<1x2048xi32, #tpu.memory_space<vmem>> -> memref<2048xi32, #tpu.memory_space<vmem>>
      %dma_start3A_234 = arith.constant 10240 : i32
      %dma_start3A_235 = tpu.memref_slice %arg3[%scan3A_6, %dma_start3A_234] : memref<26x16384xi32, #tpu.memory_space<hbm>> -> memref<1x2048xi32, #tpu.memory_space<hbm>>
      %dma_start3A_236 = tpu.memref_squeeze %dma_start3A_235 : memref<1x2048xi32, #tpu.memory_space<hbm>> -> memref<2048xi32, #tpu.memory_space<hbm>>
      tpu.enqueue_dma source(%dma_start3A_236 : memref<2048xi32, #tpu.memory_space<hbm>>) target(%dma_start3A_233 : memref<2048xi32, #tpu.memory_space<vmem>>) target_semaphore(%arg11 : memref<!tpu.dma_semaphore, #tpu.memory_space<semaphore_mem>>)
      %dma_wait3A_237 = arith.constant 0 : i32
      %dma_wait3A_238 = arith.constant 0 : i32
      %dma_wait3A_239 = tpu.memref_slice %arg8[%dma_wait3A_237, %dma_wait3A_238] : memref<2x2048xf32, #tpu.memory_space<vmem>> -> memref<1x2048xf32, #tpu.memory_space<vmem>>
      %dma_wait3A_240 = tpu.memref_squeeze %dma_wait3A_239 : memref<1x2048xf32, #tpu.memory_space<vmem>> -> memref<2048xf32, #tpu.memory_space<vmem>>
      %dma_wait3A_241 = arith.constant 4096 : i32
      %dma_wait3A_242 = tpu.memref_slice %arg5[%scan3A_6, %add3A, %dma_wait3A_241] : memref<26x32x16384xf32, #tpu.memory_space<hbm>> -> memref<1x1x2048xf32, #tpu.memory_space<hbm>>
      %dma_wait3A_243 = tpu.memref_squeeze %dma_wait3A_242 : memref<1x1x2048xf32, #tpu.memory_space<hbm>> -> memref<2048xf32, #tpu.memory_space<hbm>>
      %dma_wait3A_244 = arith.constant 4096 : i32
      %dma_wait3A_245 = tpu.memref_slice %arg5[%scan3A_6, %add3A, %dma_wait3A_244] : memref<26x32x16384xf32, #tpu.memory_space<hbm>> -> memref<1x1x2048xf32, #tpu.memory_space<hbm>>
      %dma_wait3A_246 = tpu.memref_squeeze %dma_wait3A_245 : memref<1x1x2048xf32, #tpu.memory_space<hbm>> -> memref<2048xf32, #tpu.memory_space<hbm>>
      %dma_wait3A_247 = arith.constant 0 : i32
      %dma_wait3A_248 = tpu.memref_slice %arg8[%dma_wait3A_237, %dma_wait3A_247] : memref<2x2048xf32, #tpu.memory_space<vmem>> -> memref<1x2048xf32, #tpu.memory_space<vmem>>
      %dma_wait3A_249 = tpu.memref_squeeze %dma_wait3A_248 : memref<1x2048xf32, #tpu.memory_space<vmem>> -> memref<2048xf32, #tpu.memory_space<vmem>>
      tpu.wait_dma2 semaphore(%arg12 : memref<!tpu.dma_semaphore, #tpu.memory_space<semaphore_mem>>) src(%dma_wait3A_249 : memref<2048xf32, #tpu.memory_space<vmem>>) dst(%dma_wait3A_246 : memref<2048xf32, #tpu.memory_space<hbm>>)
      %parallel_loop3A_250 = arith.constant 0 : i32
      %parallel_loop3A_251 = arith.constant 128 : i32
      %parallel_loop3A_252 = arith.constant 1 : i32
      scf.for %parallel_loop3A_444 = %parallel_loop3A_250 to %parallel_loop3A_251 step %parallel_loop3A_252  : i32 {
        %parallel_loop3A_445 = arith.constant 16 : i32
        %parallel_loop3A_446 = arith.muli %parallel_loop3A_444, %parallel_loop3A_445 : i32
        %parallel_loop3A_447 = arith.constant 0 : i32
        %parallel_loop3A_448 = arith.index_cast %parallel_loop3A_447 : i32 to index
        %parallel_loop3A_449 = arith.index_cast %parallel_loop3A_446 : i32 to index
        %parallel_loop3A_450 = tpu.vector_load %arg7[%parallel_loop3A_448, %parallel_loop3A_449] {strides = array<i32>} : memref<2x2048xi32, #tpu.memory_space<vmem>>, vector<16xi32>,
        %parallel_loop3A_451 = tpu.vector_load_idx %arg6[%parallel_loop3A_450] : memref<100000xf32, #tpu.memory_space<vmem>>[vector<16xi32>], vector<16xf32>,
        %parallel_loop3A_452 = arith.addf %parallel_loop3A_451, %gather3A : vector<16xf32>
        %parallel_loop3A_453 = arith.constant 16 : i32
        %parallel_loop3A_454 = arith.muli %parallel_loop3A_444, %parallel_loop3A_453 : i32
        %parallel_loop3A_455 = arith.constant 0 : i32
        %parallel_loop3A_456 = arith.index_cast %parallel_loop3A_455 : i32 to index
        %parallel_loop3A_457 = arith.index_cast %parallel_loop3A_454 : i32 to index
        %parallel_loop3A_458 = tpu.vector_load %arg8[%parallel_loop3A_456, %parallel_loop3A_457] {strides = array<i32>} : memref<2x2048xf32, #tpu.memory_space<vmem>>, vector<16xf32>,
        tpu.vector_store %arg8[%parallel_loop3A_456, %parallel_loop3A_457], %parallel_loop3A_452 {strides = array<i32>} : memref<2x2048xf32, #tpu.memory_space<vmem>>, vector<16xf32>,
      } {sc.loop_unroll_factor = 8 : i64, sc.parallel_access}
      %dma_start3A_253 = arith.constant 0 : i32
      %dma_start3A_254 = arith.constant 0 : i32
      %dma_start3A_255 = tpu.memref_slice %arg8[%dma_start3A_253, %dma_start3A_254] : memref<2x2048xf32, #tpu.memory_space<vmem>> -> memref<1x2048xf32, #tpu.memory_space<vmem>>
      %dma_start3A_256 = tpu.memref_squeeze %dma_start3A_255 : memref<1x2048xf32, #tpu.memory_space<vmem>> -> memref<2048xf32, #tpu.memory_space<vmem>>
      %dma_start3A_257 = arith.constant 8192 : i32
      %dma_start3A_258 = tpu.memref_slice %arg5[%scan3A_6, %add3A, %dma_start3A_257] : memref<26x32x16384xf32, #tpu.memory_space<hbm>> -> memref<1x1x2048xf32, #tpu.memory_space<hbm>>
      %dma_start3A_259 = tpu.memref_squeeze %dma_start3A_258 : memref<1x1x2048xf32, #tpu.memory_space<hbm>> -> memref<2048xf32, #tpu.memory_space<hbm>>
      %dma_start3A_260 = arith.constant 8192 : i32
      %dma_start3A_261 = tpu.memref_slice %arg5[%scan3A_6, %add3A, %dma_start3A_260] : memref<26x32x16384xf32, #tpu.memory_space<hbm>> -> memref<1x1x2048xf32, #tpu.memory_space<hbm>>
      %dma_start3A_262 = tpu.memref_squeeze %dma_start3A_261 : memref<1x1x2048xf32, #tpu.memory_space<hbm>> -> memref<2048xf32, #tpu.memory_space<hbm>>
      %dma_start3A_263 = arith.constant 0 : i32
      %dma_start3A_264 = tpu.memref_slice %arg8[%dma_start3A_253, %dma_start3A_263] : memref<2x2048xf32, #tpu.memory_space<vmem>> -> memref<1x2048xf32, #tpu.memory_space<vmem>>
      %dma_start3A_265 = tpu.memref_squeeze %dma_start3A_264 : memref<1x2048xf32, #tpu.memory_space<vmem>> -> memref<2048xf32, #tpu.memory_space<vmem>>
      tpu.enqueue_dma source(%dma_start3A_265 : memref<2048xf32, #tpu.memory_space<vmem>>) target(%dma_start3A_262 : memref<2048xf32, #tpu.memory_space<hbm>>) target_semaphore(%arg12 : memref<!tpu.dma_semaphore, #tpu.memory_space<semaphore_mem>>)
      %dma_wait3A_266 = arith.constant 1 : i32
      %dma_wait3A_267 = arith.constant 0 : i32
      %dma_wait3A_268 = tpu.memref_slice %arg7[%dma_wait3A_266, %dma_wait3A_267] : memref<2x2048xi32, #tpu.memory_space<vmem>> -> memref<1x2048xi32, #tpu.memory_space<vmem>>
      %dma_wait3A_269 = tpu.memref_squeeze %dma_wait3A_268 : memref<1x2048xi32, #tpu.memory_space<vmem>> -> memref<2048xi32, #tpu.memory_space<vmem>>
      %dma_wait3A_270 = arith.constant 10240 : i32
      %dma_wait3A_271 = tpu.memref_slice %arg3[%scan3A_6, %dma_wait3A_270] : memref<26x16384xi32, #tpu.memory_space<hbm>> -> memref<1x2048xi32, #tpu.memory_space<hbm>>
      %dma_wait3A_272 = tpu.memref_squeeze %dma_wait3A_271 : memref<1x2048xi32, #tpu.memory_space<hbm>> -> memref<2048xi32, #tpu.memory_space<hbm>>
      %dma_wait3A_273 = arith.constant 0 : i32
      %dma_wait3A_274 = tpu.memref_slice %arg7[%dma_wait3A_266, %dma_wait3A_273] : memref<2x2048xi32, #tpu.memory_space<vmem>> -> memref<1x2048xi32, #tpu.memory_space<vmem>>
      %dma_wait3A_275 = tpu.memref_squeeze %dma_wait3A_274 : memref<1x2048xi32, #tpu.memory_space<vmem>> -> memref<2048xi32, #tpu.memory_space<vmem>>
      %dma_wait3A_276 = arith.constant 10240 : i32
      %dma_wait3A_277 = tpu.memref_slice %arg3[%scan3A_6, %dma_wait3A_276] : memref<26x16384xi32, #tpu.memory_space<hbm>> -> memref<1x2048xi32, #tpu.memory_space<hbm>>
      %dma_wait3A_278 = tpu.memref_squeeze %dma_wait3A_277 : memref<1x2048xi32, #tpu.memory_space<hbm>> -> memref<2048xi32, #tpu.memory_space<hbm>>
      tpu.wait_dma2 semaphore(%arg11 : memref<!tpu.dma_semaphore, #tpu.memory_space<semaphore_mem>>) src(%dma_wait3A_278 : memref<2048xi32, #tpu.memory_space<hbm>>) dst(%dma_wait3A_275 : memref<2048xi32, #tpu.memory_space<vmem>>)
      %dma_start3A_279 = arith.constant 0 : i32
      %dma_start3A_280 = arith.constant 0 : i32
      %dma_start3A_281 = tpu.memref_slice %arg7[%dma_start3A_279, %dma_start3A_280] : memref<2x2048xi32, #tpu.memory_space<vmem>> -> memref<1x2048xi32, #tpu.memory_space<vmem>>
      %dma_start3A_282 = tpu.memref_squeeze %dma_start3A_281 : memref<1x2048xi32, #tpu.memory_space<vmem>> -> memref<2048xi32, #tpu.memory_space<vmem>>
      %dma_start3A_283 = arith.constant 12288 : i32
      %dma_start3A_284 = tpu.memref_slice %arg3[%scan3A_6, %dma_start3A_283] : memref<26x16384xi32, #tpu.memory_space<hbm>> -> memref<1x2048xi32, #tpu.memory_space<hbm>>
      %dma_start3A_285 = tpu.memref_squeeze %dma_start3A_284 : memref<1x2048xi32, #tpu.memory_space<hbm>> -> memref<2048xi32, #tpu.memory_space<hbm>>
      %dma_start3A_286 = arith.constant 0 : i32
      %dma_start3A_287 = tpu.memref_slice %arg7[%dma_start3A_279, %dma_start3A_286] : memref<2x2048xi32, #tpu.memory_space<vmem>> -> memref<1x2048xi32, #tpu.memory_space<vmem>>
      %dma_start3A_288 = tpu.memref_squeeze %dma_start3A_287 : memref<1x2048xi32, #tpu.memory_space<vmem>> -> memref<2048xi32, #tpu.memory_space<vmem>>
      %dma_start3A_289 = arith.constant 12288 : i32
      %dma_start3A_290 = tpu.memref_slice %arg3[%scan3A_6, %dma_start3A_289] : memref<26x16384xi32, #tpu.memory_space<hbm>> -> memref<1x2048xi32, #tpu.memory_space<hbm>>
      %dma_start3A_291 = tpu.memref_squeeze %dma_start3A_290 : memref<1x2048xi32, #tpu.memory_space<hbm>> -> memref<2048xi32, #tpu.memory_space<hbm>>
      tpu.enqueue_dma source(%dma_start3A_291 : memref<2048xi32, #tpu.memory_space<hbm>>) target(%dma_start3A_288 : memref<2048xi32, #tpu.memory_space<vmem>>) target_semaphore(%arg10 : memref<!tpu.dma_semaphore, #tpu.memory_space<semaphore_mem>>)
      %dma_wait3A_292 = arith.constant 1 : i32
      %dma_wait3A_293 = arith.constant 0 : i32
      %dma_wait3A_294 = tpu.memref_slice %arg8[%dma_wait3A_292, %dma_wait3A_293] : memref<2x2048xf32, #tpu.memory_space<vmem>> -> memref<1x2048xf32, #tpu.memory_space<vmem>>
      %dma_wait3A_295 = tpu.memref_squeeze %dma_wait3A_294 : memref<1x2048xf32, #tpu.memory_space<vmem>> -> memref<2048xf32, #tpu.memory_space<vmem>>
      %dma_wait3A_296 = arith.constant 6144 : i32
      %dma_wait3A_297 = tpu.memref_slice %arg5[%scan3A_6, %add3A, %dma_wait3A_296] : memref<26x32x16384xf32, #tpu.memory_space<hbm>> -> memref<1x1x2048xf32, #tpu.memory_space<hbm>>
      %dma_wait3A_298 = tpu.memref_squeeze %dma_wait3A_297 : memref<1x1x2048xf32, #tpu.memory_space<hbm>> -> memref<2048xf32, #tpu.memory_space<hbm>>
      %dma_wait3A_299 = arith.constant 6144 : i32
      %dma_wait3A_300 = tpu.memref_slice %arg5[%scan3A_6, %add3A, %dma_wait3A_299] : memref<26x32x16384xf32, #tpu.memory_space<hbm>> -> memref<1x1x2048xf32, #tpu.memory_space<hbm>>
      %dma_wait3A_301 = tpu.memref_squeeze %dma_wait3A_300 : memref<1x1x2048xf32, #tpu.memory_space<hbm>> -> memref<2048xf32, #tpu.memory_space<hbm>>
      %dma_wait3A_302 = arith.constant 0 : i32
      %dma_wait3A_303 = tpu.memref_slice %arg8[%dma_wait3A_292, %dma_wait3A_302] : memref<2x2048xf32, #tpu.memory_space<vmem>> -> memref<1x2048xf32, #tpu.memory_space<vmem>>
      %dma_wait3A_304 = tpu.memref_squeeze %dma_wait3A_303 : memref<1x2048xf32, #tpu.memory_space<vmem>> -> memref<2048xf32, #tpu.memory_space<vmem>>
      tpu.wait_dma2 semaphore(%arg13 : memref<!tpu.dma_semaphore, #tpu.memory_space<semaphore_mem>>) src(%dma_wait3A_304 : memref<2048xf32, #tpu.memory_space<vmem>>) dst(%dma_wait3A_301 : memref<2048xf32, #tpu.memory_space<hbm>>)
      %parallel_loop3A_305 = arith.constant 0 : i32
      %parallel_loop3A_306 = arith.constant 128 : i32
      %parallel_loop3A_307 = arith.constant 1 : i32
      scf.for %parallel_loop3A_444 = %parallel_loop3A_305 to %parallel_loop3A_306 step %parallel_loop3A_307  : i32 {
        %parallel_loop3A_445 = arith.constant 16 : i32
        %parallel_loop3A_446 = arith.muli %parallel_loop3A_444, %parallel_loop3A_445 : i32
        %parallel_loop3A_447 = arith.constant 1 : i32
        %parallel_loop3A_448 = arith.index_cast %parallel_loop3A_447 : i32 to index
        %parallel_loop3A_449 = arith.index_cast %parallel_loop3A_446 : i32 to index
        %parallel_loop3A_450 = tpu.vector_load %arg7[%parallel_loop3A_448, %parallel_loop3A_449] {strides = array<i32>} : memref<2x2048xi32, #tpu.memory_space<vmem>>, vector<16xi32>,
        %parallel_loop3A_451 = tpu.vector_load_idx %arg6[%parallel_loop3A_450] : memref<100000xf32, #tpu.memory_space<vmem>>[vector<16xi32>], vector<16xf32>,
        %parallel_loop3A_452 = arith.addf %parallel_loop3A_451, %gather3A : vector<16xf32>
        %parallel_loop3A_453 = arith.constant 16 : i32
        %parallel_loop3A_454 = arith.muli %parallel_loop3A_444, %parallel_loop3A_453 : i32
        %parallel_loop3A_455 = arith.constant 1 : i32
        %parallel_loop3A_456 = arith.index_cast %parallel_loop3A_455 : i32 to index
        %parallel_loop3A_457 = arith.index_cast %parallel_loop3A_454 : i32 to index
        %parallel_loop3A_458 = tpu.vector_load %arg8[%parallel_loop3A_456, %parallel_loop3A_457] {strides = array<i32>} : memref<2x2048xf32, #tpu.memory_space<vmem>>, vector<16xf32>,
        tpu.vector_store %arg8[%parallel_loop3A_456, %parallel_loop3A_457], %parallel_loop3A_452 {strides = array<i32>} : memref<2x2048xf32, #tpu.memory_space<vmem>>, vector<16xf32>,
      } {sc.loop_unroll_factor = 8 : i64, sc.parallel_access}
      %dma_start3A_308 = arith.constant 1 : i32
      %dma_start3A_309 = arith.constant 0 : i32
      %dma_start3A_310 = tpu.memref_slice %arg8[%dma_start3A_308, %dma_start3A_309] : memref<2x2048xf32, #tpu.memory_space<vmem>> -> memref<1x2048xf32, #tpu.memory_space<vmem>>
      %dma_start3A_311 = tpu.memref_squeeze %dma_start3A_310 : memref<1x2048xf32, #tpu.memory_space<vmem>> -> memref<2048xf32, #tpu.memory_space<vmem>>
      %dma_start3A_312 = arith.constant 10240 : i32
      %dma_start3A_313 = tpu.memref_slice %arg5[%scan3A_6, %add3A, %dma_start3A_312] : memref<26x32x16384xf32, #tpu.memory_space<hbm>> -> memref<1x1x2048xf32, #tpu.memory_space<hbm>>
      %dma_start3A_314 = tpu.memref_squeeze %dma_start3A_313 : memref<1x1x2048xf32, #tpu.memory_space<hbm>> -> memref<2048xf32, #tpu.memory_space<hbm>>
      %dma_start3A_315 = arith.constant 10240 : i32
      %dma_start3A_316 = tpu.memref_slice %arg5[%scan3A_6, %add3A, %dma_start3A_315] : memref<26x32x16384xf32, #tpu.memory_space<hbm>> -> memref<1x1x2048xf32, #tpu.memory_space<hbm>>
      %dma_start3A_317 = tpu.memref_squeeze %dma_start3A_316 : memref<1x1x2048xf32, #tpu.memory_space<hbm>> -> memref<2048xf32, #tpu.memory_space<hbm>>
      %dma_start3A_318 = arith.constant 0 : i32
      %dma_start3A_319 = tpu.memref_slice %arg8[%dma_start3A_308, %dma_start3A_318] : memref<2x2048xf32, #tpu.memory_space<vmem>> -> memref<1x2048xf32, #tpu.memory_space<vmem>>
      %dma_start3A_320 = tpu.memref_squeeze %dma_start3A_319 : memref<1x2048xf32, #tpu.memory_space<vmem>> -> memref<2048xf32, #tpu.memory_space<vmem>>
      tpu.enqueue_dma source(%dma_start3A_320 : memref<2048xf32, #tpu.memory_space<vmem>>) target(%dma_start3A_317 : memref<2048xf32, #tpu.memory_space<hbm>>) target_semaphore(%arg13 : memref<!tpu.dma_semaphore, #tpu.memory_space<semaphore_mem>>)
      %dma_wait3A_321 = arith.constant 0 : i32
      %dma_wait3A_322 = arith.constant 0 : i32
      %dma_wait3A_323 = tpu.memref_slice %arg7[%dma_wait3A_321, %dma_wait3A_322] : memref<2x2048xi32, #tpu.memory_space<vmem>> -> memref<1x2048xi32, #tpu.memory_space<vmem>>
      %dma_wait3A_324 = tpu.memref_squeeze %dma_wait3A_323 : memref<1x2048xi32, #tpu.memory_space<vmem>> -> memref<2048xi32, #tpu.memory_space<vmem>>
      %dma_wait3A_325 = arith.constant 12288 : i32
      %dma_wait3A_326 = tpu.memref_slice %arg3[%scan3A_6, %dma_wait3A_325] : memref<26x16384xi32, #tpu.memory_space<hbm>> -> memref<1x2048xi32, #tpu.memory_space<hbm>>
      %dma_wait3A_327 = tpu.memref_squeeze %dma_wait3A_326 : memref<1x2048xi32, #tpu.memory_space<hbm>> -> memref<2048xi32, #tpu.memory_space<hbm>>
      %dma_wait3A_328 = arith.constant 0 : i32
      %dma_wait3A_329 = tpu.memref_slice %arg7[%dma_wait3A_321, %dma_wait3A_328] : memref<2x2048xi32, #tpu.memory_space<vmem>> -> memref<1x2048xi32, #tpu.memory_space<vmem>>
      %dma_wait3A_330 = tpu.memref_squeeze %dma_wait3A_329 : memref<1x2048xi32, #tpu.memory_space<vmem>> -> memref<2048xi32, #tpu.memory_space<vmem>>
      %dma_wait3A_331 = arith.constant 12288 : i32
      %dma_wait3A_332 = tpu.memref_slice %arg3[%scan3A_6, %dma_wait3A_331] : memref<26x16384xi32, #tpu.memory_space<hbm>> -> memref<1x2048xi32, #tpu.memory_space<hbm>>
      %dma_wait3A_333 = tpu.memref_squeeze %dma_wait3A_332 : memref<1x2048xi32, #tpu.memory_space<hbm>> -> memref<2048xi32, #tpu.memory_space<hbm>>
      tpu.wait_dma2 semaphore(%arg10 : memref<!tpu.dma_semaphore, #tpu.memory_space<semaphore_mem>>) src(%dma_wait3A_333 : memref<2048xi32, #tpu.memory_space<hbm>>) dst(%dma_wait3A_330 : memref<2048xi32, #tpu.memory_space<vmem>>)
      %dma_start3A_334 = arith.constant 1 : i32
      %dma_start3A_335 = arith.constant 0 : i32
      %dma_start3A_336 = tpu.memref_slice %arg7[%dma_start3A_334, %dma_start3A_335] : memref<2x2048xi32, #tpu.memory_space<vmem>> -> memref<1x2048xi32, #tpu.memory_space<vmem>>
      %dma_start3A_337 = tpu.memref_squeeze %dma_start3A_336 : memref<1x2048xi32, #tpu.memory_space<vmem>> -> memref<2048xi32, #tpu.memory_space<vmem>>
      %dma_start3A_338 = arith.constant 14336 : i32
      %dma_start3A_339 = tpu.memref_slice %arg3[%scan3A_6, %dma_start3A_338] : memref<26x16384xi32, #tpu.memory_space<hbm>> -> memref<1x2048xi32, #tpu.memory_space<hbm>>
      %dma_start3A_340 = tpu.memref_squeeze %dma_start3A_339 : memref<1x2048xi32, #tpu.memory_space<hbm>> -> memref<2048xi32, #tpu.memory_space<hbm>>
      %dma_start3A_341 = arith.constant 0 : i32
      %dma_start3A_342 = tpu.memref_slice %arg7[%dma_start3A_334, %dma_start3A_341] : memref<2x2048xi32, #tpu.memory_space<vmem>> -> memref<1x2048xi32, #tpu.memory_space<vmem>>
      %dma_start3A_343 = tpu.memref_squeeze %dma_start3A_342 : memref<1x2048xi32, #tpu.memory_space<vmem>> -> memref<2048xi32, #tpu.memory_space<vmem>>
      %dma_start3A_344 = arith.constant 14336 : i32
      %dma_start3A_345 = tpu.memref_slice %arg3[%scan3A_6, %dma_start3A_344] : memref<26x16384xi32, #tpu.memory_space<hbm>> -> memref<1x2048xi32, #tpu.memory_space<hbm>>
      %dma_start3A_346 = tpu.memref_squeeze %dma_start3A_345 : memref<1x2048xi32, #tpu.memory_space<hbm>> -> memref<2048xi32, #tpu.memory_space<hbm>>
      tpu.enqueue_dma source(%dma_start3A_346 : memref<2048xi32, #tpu.memory_space<hbm>>) target(%dma_start3A_343 : memref<2048xi32, #tpu.memory_space<vmem>>) target_semaphore(%arg11 : memref<!tpu.dma_semaphore, #tpu.memory_space<semaphore_mem>>)
      %dma_wait3A_347 = arith.constant 0 : i32
      %dma_wait3A_348 = arith.constant 0 : i32
      %dma_wait3A_349 = tpu.memref_slice %arg8[%dma_wait3A_347, %dma_wait3A_348] : memref<2x2048xf32, #tpu.memory_space<vmem>> -> memref<1x2048xf32, #tpu.memory_space<vmem>>
      %dma_wait3A_350 = tpu.memref_squeeze %dma_wait3A_349 : memref<1x2048xf32, #tpu.memory_space<vmem>> -> memref<2048xf32, #tpu.memory_space<vmem>>
      %dma_wait3A_351 = arith.constant 8192 : i32
      %dma_wait3A_352 = tpu.memref_slice %arg5[%scan3A_6, %add3A, %dma_wait3A_351] : memref<26x32x16384xf32, #tpu.memory_space<hbm>> -> memref<1x1x2048xf32, #tpu.memory_space<hbm>>
      %dma_wait3A_353 = tpu.memref_squeeze %dma_wait3A_352 : memref<1x1x2048xf32, #tpu.memory_space<hbm>> -> memref<2048xf32, #tpu.memory_space<hbm>>
      %dma_wait3A_354 = arith.constant 8192 : i32
      %dma_wait3A_355 = tpu.memref_slice %arg5[%scan3A_6, %add3A, %dma_wait3A_354] : memref<26x32x16384xf32, #tpu.memory_space<hbm>> -> memref<1x1x2048xf32, #tpu.memory_space<hbm>>
      %dma_wait3A_356 = tpu.memref_squeeze %dma_wait3A_355 : memref<1x1x2048xf32, #tpu.memory_space<hbm>> -> memref<2048xf32, #tpu.memory_space<hbm>>
      %dma_wait3A_357 = arith.constant 0 : i32
      %dma_wait3A_358 = tpu.memref_slice %arg8[%dma_wait3A_347, %dma_wait3A_357] : memref<2x2048xf32, #tpu.memory_space<vmem>> -> memref<1x2048xf32, #tpu.memory_space<vmem>>
      %dma_wait3A_359 = tpu.memref_squeeze %dma_wait3A_358 : memref<1x2048xf32, #tpu.memory_space<vmem>> -> memref<2048xf32, #tpu.memory_space<vmem>>
      tpu.wait_dma2 semaphore(%arg12 : memref<!tpu.dma_semaphore, #tpu.memory_space<semaphore_mem>>) src(%dma_wait3A_359 : memref<2048xf32, #tpu.memory_space<vmem>>) dst(%dma_wait3A_356 : memref<2048xf32, #tpu.memory_space<hbm>>)
      %parallel_loop3A_360 = arith.constant 0 : i32
      %parallel_loop3A_361 = arith.constant 128 : i32
      %parallel_loop3A_362 = arith.constant 1 : i32
      scf.for %parallel_loop3A_444 = %parallel_loop3A_360 to %parallel_loop3A_361 step %parallel_loop3A_362  : i32 {
        %parallel_loop3A_445 = arith.constant 16 : i32
        %parallel_loop3A_446 = arith.muli %parallel_loop3A_444, %parallel_loop3A_445 : i32
        %parallel_loop3A_447 = arith.constant 0 : i32
        %parallel_loop3A_448 = arith.index_cast %parallel_loop3A_447 : i32 to index
        %parallel_loop3A_449 = arith.index_cast %parallel_loop3A_446 : i32 to index
        %parallel_loop3A_450 = tpu.vector_load %arg7[%parallel_loop3A_448, %parallel_loop3A_449] {strides = array<i32>} : memref<2x2048xi32, #tpu.memory_space<vmem>>, vector<16xi32>,
        %parallel_loop3A_451 = tpu.vector_load_idx %arg6[%parallel_loop3A_450] : memref<100000xf32, #tpu.memory_space<vmem>>[vector<16xi32>], vector<16xf32>,
        %parallel_loop3A_452 = arith.addf %parallel_loop3A_451, %gather3A : vector<16xf32>
        %parallel_loop3A_453 = arith.constant 16 : i32
        %parallel_loop3A_454 = arith.muli %parallel_loop3A_444, %parallel_loop3A_453 : i32
        %parallel_loop3A_455 = arith.constant 0 : i32
        %parallel_loop3A_456 = arith.index_cast %parallel_loop3A_455 : i32 to index
        %parallel_loop3A_457 = arith.index_cast %parallel_loop3A_454 : i32 to index
        %parallel_loop3A_458 = tpu.vector_load %arg8[%parallel_loop3A_456, %parallel_loop3A_457] {strides = array<i32>} : memref<2x2048xf32, #tpu.memory_space<vmem>>, vector<16xf32>,
        tpu.vector_store %arg8[%parallel_loop3A_456, %parallel_loop3A_457], %parallel_loop3A_452 {strides = array<i32>} : memref<2x2048xf32, #tpu.memory_space<vmem>>, vector<16xf32>,
      } {sc.loop_unroll_factor = 8 : i64, sc.parallel_access}
      %dma_start3A_363 = arith.constant 0 : i32
      %dma_start3A_364 = arith.constant 0 : i32
      %dma_start3A_365 = tpu.memref_slice %arg8[%dma_start3A_363, %dma_start3A_364] : memref<2x2048xf32, #tpu.memory_space<vmem>> -> memref<1x2048xf32, #tpu.memory_space<vmem>>
      %dma_start3A_366 = tpu.memref_squeeze %dma_start3A_365 : memref<1x2048xf32, #tpu.memory_space<vmem>> -> memref<2048xf32, #tpu.memory_space<vmem>>
      %dma_start3A_367 = arith.constant 12288 : i32
      %dma_start3A_368 = tpu.memref_slice %arg5[%scan3A_6, %add3A, %dma_start3A_367] : memref<26x32x16384xf32, #tpu.memory_space<hbm>> -> memref<1x1x2048xf32, #tpu.memory_space<hbm>>
      %dma_start3A_369 = tpu.memref_squeeze %dma_start3A_368 : memref<1x1x2048xf32, #tpu.memory_space<hbm>> -> memref<2048xf32, #tpu.memory_space<hbm>>
      %dma_start3A_370 = arith.constant 12288 : i32
      %dma_start3A_371 = tpu.memref_slice %arg5[%scan3A_6, %add3A, %dma_start3A_370] : memref<26x32x16384xf32, #tpu.memory_space<hbm>> -> memref<1x1x2048xf32, #tpu.memory_space<hbm>>
      %dma_start3A_372 = tpu.memref_squeeze %dma_start3A_371 : memref<1x1x2048xf32, #tpu.memory_space<hbm>> -> memref<2048xf32, #tpu.memory_space<hbm>>
      %dma_start3A_373 = arith.constant 0 : i32
      %dma_start3A_374 = tpu.memref_slice %arg8[%dma_start3A_363, %dma_start3A_373] : memref<2x2048xf32, #tpu.memory_space<vmem>> -> memref<1x2048xf32, #tpu.memory_space<vmem>>
      %dma_start3A_375 = tpu.memref_squeeze %dma_start3A_374 : memref<1x2048xf32, #tpu.memory_space<vmem>> -> memref<2048xf32, #tpu.memory_space<vmem>>
      tpu.enqueue_dma source(%dma_start3A_375 : memref<2048xf32, #tpu.memory_space<vmem>>) target(%dma_start3A_372 : memref<2048xf32, #tpu.memory_space<hbm>>) target_semaphore(%arg12 : memref<!tpu.dma_semaphore, #tpu.memory_space<semaphore_mem>>)
      %dma_wait3A_376 = arith.constant 1 : i32
      %dma_wait3A_377 = arith.constant 0 : i32
      %dma_wait3A_378 = tpu.memref_slice %arg7[%dma_wait3A_376, %dma_wait3A_377] : memref<2x2048xi32, #tpu.memory_space<vmem>> -> memref<1x2048xi32, #tpu.memory_space<vmem>>
      %dma_wait3A_379 = tpu.memref_squeeze %dma_wait3A_378 : memref<1x2048xi32, #tpu.memory_space<vmem>> -> memref<2048xi32, #tpu.memory_space<vmem>>
      %dma_wait3A_380 = arith.constant 14336 : i32
      %dma_wait3A_381 = tpu.memref_slice %arg3[%scan3A_6, %dma_wait3A_380] : memref<26x16384xi32, #tpu.memory_space<hbm>> -> memref<1x2048xi32, #tpu.memory_space<hbm>>
      %dma_wait3A_382 = tpu.memref_squeeze %dma_wait3A_381 : memref<1x2048xi32, #tpu.memory_space<hbm>> -> memref<2048xi32, #tpu.memory_space<hbm>>
      %dma_wait3A_383 = arith.constant 0 : i32
      %dma_wait3A_384 = tpu.memref_slice %arg7[%dma_wait3A_376, %dma_wait3A_383] : memref<2x2048xi32, #tpu.memory_space<vmem>> -> memref<1x2048xi32, #tpu.memory_space<vmem>>
      %dma_wait3A_385 = tpu.memref_squeeze %dma_wait3A_384 : memref<1x2048xi32, #tpu.memory_space<vmem>> -> memref<2048xi32, #tpu.memory_space<vmem>>
      %dma_wait3A_386 = arith.constant 14336 : i32
      %dma_wait3A_387 = tpu.memref_slice %arg3[%scan3A_6, %dma_wait3A_386] : memref<26x16384xi32, #tpu.memory_space<hbm>> -> memref<1x2048xi32, #tpu.memory_space<hbm>>
      %dma_wait3A_388 = tpu.memref_squeeze %dma_wait3A_387 : memref<1x2048xi32, #tpu.memory_space<hbm>> -> memref<2048xi32, #tpu.memory_space<hbm>>
      tpu.wait_dma2 semaphore(%arg11 : memref<!tpu.dma_semaphore, #tpu.memory_space<semaphore_mem>>) src(%dma_wait3A_388 : memref<2048xi32, #tpu.memory_space<hbm>>) dst(%dma_wait3A_385 : memref<2048xi32, #tpu.memory_space<vmem>>)
      %dma_wait3A_389 = arith.constant 1 : i32
      %dma_wait3A_390 = arith.constant 0 : i32
      %dma_wait3A_391 = tpu.memref_slice %arg8[%dma_wait3A_389, %dma_wait3A_390] : memref<2x2048xf32, #tpu.memory_space<vmem>> -> memref<1x2048xf32, #tpu.memory_space<vmem>>
      %dma_wait3A_392 = tpu.memref_squeeze %dma_wait3A_391 : memref<1x2048xf32, #tpu.memory_space<vmem>> -> memref<2048xf32, #tpu.memory_space<vmem>>
      %dma_wait3A_393 = arith.constant 10240 : i32
      %dma_wait3A_394 = tpu.memref_slice %arg5[%scan3A_6, %add3A, %dma_wait3A_393] : memref<26x32x16384xf32, #tpu.memory_space<hbm>> -> memref<1x1x2048xf32, #tpu.memory_space<hbm>>
      %dma_wait3A_395 = tpu.memref_squeeze %dma_wait3A_394 : memref<1x1x2048xf32, #tpu.memory_space<hbm>> -> memref<2048xf32, #tpu.memory_space<hbm>>
      %dma_wait3A_396 = arith.constant 10240 : i32
      %dma_wait3A_397 = tpu.memref_slice %arg5[%scan3A_6, %add3A, %dma_wait3A_396] : memref<26x32x16384xf32, #tpu.memory_space<hbm>> -> memref<1x1x2048xf32, #tpu.memory_space<hbm>>
      %dma_wait3A_398 = tpu.memref_squeeze %dma_wait3A_397 : memref<1x1x2048xf32, #tpu.memory_space<hbm>> -> memref<2048xf32, #tpu.memory_space<hbm>>
      %dma_wait3A_399 = arith.constant 0 : i32
      %dma_wait3A_400 = tpu.memref_slice %arg8[%dma_wait3A_389, %dma_wait3A_399] : memref<2x2048xf32, #tpu.memory_space<vmem>> -> memref<1x2048xf32, #tpu.memory_space<vmem>>
      %dma_wait3A_401 = tpu.memref_squeeze %dma_wait3A_400 : memref<1x2048xf32, #tpu.memory_space<vmem>> -> memref<2048xf32, #tpu.memory_space<vmem>>
      tpu.wait_dma2 semaphore(%arg13 : memref<!tpu.dma_semaphore, #tpu.memory_space<semaphore_mem>>) src(%dma_wait3A_401 : memref<2048xf32, #tpu.memory_space<vmem>>) dst(%dma_wait3A_398 : memref<2048xf32, #tpu.memory_space<hbm>>)
      %parallel_loop3A_402 = arith.constant 0 : i32
      %parallel_loop3A_403 = arith.constant 128 : i32
      %parallel_loop3A_404 = arith.constant 1 : i32
      scf.for %parallel_loop3A_444 = %parallel_loop3A_402 to %parallel_loop3A_403 step %parallel_loop3A_404  : i32 {
        %parallel_loop3A_445 = arith.constant 16 : i32
        %parallel_loop3A_446 = arith.muli %parallel_loop3A_444, %parallel_loop3A_445 : i32
        %parallel_loop3A_447 = arith.constant 1 : i32
        %parallel_loop3A_448 = arith.index_cast %parallel_loop3A_447 : i32 to index
        %parallel_loop3A_449 = arith.index_cast %parallel_loop3A_446 : i32 to index
        %parallel_loop3A_450 = tpu.vector_load %arg7[%parallel_loop3A_448, %parallel_loop3A_449] {strides = array<i32>} : memref<2x2048xi32, #tpu.memory_space<vmem>>, vector<16xi32>,
        %parallel_loop3A_451 = tpu.vector_load_idx %arg6[%parallel_loop3A_450] : memref<100000xf32, #tpu.memory_space<vmem>>[vector<16xi32>], vector<16xf32>,
        %parallel_loop3A_452 = arith.addf %parallel_loop3A_451, %gather3A : vector<16xf32>
        %parallel_loop3A_453 = arith.constant 16 : i32
        %parallel_loop3A_454 = arith.muli %parallel_loop3A_444, %parallel_loop3A_453 : i32
        %parallel_loop3A_455 = arith.constant 1 : i32
        %parallel_loop3A_456 = arith.index_cast %parallel_loop3A_455 : i32 to index
        %parallel_loop3A_457 = arith.index_cast %parallel_loop3A_454 : i32 to index
        %parallel_loop3A_458 = tpu.vector_load %arg8[%parallel_loop3A_456, %parallel_loop3A_457] {strides = array<i32>} : memref<2x2048xf32, #tpu.memory_space<vmem>>, vector<16xf32>,
        tpu.vector_store %arg8[%parallel_loop3A_456, %parallel_loop3A_457], %parallel_loop3A_452 {strides = array<i32>} : memref<2x2048xf32, #tpu.memory_space<vmem>>, vector<16xf32>,
      } {sc.loop_unroll_factor = 8 : i64, sc.parallel_access}
      %dma_start3A_405 = arith.constant 1 : i32
      %dma_start3A_406 = arith.constant 0 : i32
      %dma_start3A_407 = tpu.memref_slice %arg8[%dma_start3A_405, %dma_start3A_406] : memref<2x2048xf32, #tpu.memory_space<vmem>> -> memref<1x2048xf32, #tpu.memory_space<vmem>>
      %dma_start3A_408 = tpu.memref_squeeze %dma_start3A_407 : memref<1x2048xf32, #tpu.memory_space<vmem>> -> memref<2048xf32, #tpu.memory_space<vmem>>
      %dma_start3A_409 = arith.constant 14336 : i32
      %dma_start3A_410 = tpu.memref_slice %arg5[%scan3A_6, %add3A, %dma_start3A_409] : memref<26x32x16384xf32, #tpu.memory_space<hbm>> -> memref<1x1x2048xf32, #tpu.memory_space<hbm>>
      %dma_start3A_411 = tpu.memref_squeeze %dma_start3A_410 : memref<1x1x2048xf32, #tpu.memory_space<hbm>> -> memref<2048xf32, #tpu.memory_space<hbm>>
      %dma_start3A_412 = arith.constant 14336 : i32
      %dma_start3A_413 = tpu.memref_slice %arg5[%scan3A_6, %add3A, %dma_start3A_412] : memref<26x32x16384xf32, #tpu.memory_space<hbm>> -> memref<1x1x2048xf32, #tpu.memory_space<hbm>>
      %dma_start3A_414 = tpu.memref_squeeze %dma_start3A_413 : memref<1x1x2048xf32, #tpu.memory_space<hbm>> -> memref<2048xf32, #tpu.memory_space<hbm>>
      %dma_start3A_415 = arith.constant 0 : i32
      %dma_start3A_416 = tpu.memref_slice %arg8[%dma_start3A_405, %dma_start3A_415] : memref<2x2048xf32, #tpu.memory_space<vmem>> -> memref<1x2048xf32, #tpu.memory_space<vmem>>
      %dma_start3A_417 = tpu.memref_squeeze %dma_start3A_416 : memref<1x2048xf32, #tpu.memory_space<vmem>> -> memref<2048xf32, #tpu.memory_space<vmem>>
      tpu.enqueue_dma source(%dma_start3A_417 : memref<2048xf32, #tpu.memory_space<vmem>>) target(%dma_start3A_414 : memref<2048xf32, #tpu.memory_space<hbm>>) target_semaphore(%arg13 : memref<!tpu.dma_semaphore, #tpu.memory_space<semaphore_mem>>)
      %dma_wait3A_418 = arith.constant 0 : i32
      %dma_wait3A_419 = arith.constant 0 : i32
      %dma_wait3A_420 = tpu.memref_slice %arg8[%dma_wait3A_418, %dma_wait3A_419] : memref<2x2048xf32, #tpu.memory_space<vmem>> -> memref<1x2048xf32, #tpu.memory_space<vmem>>
      %dma_wait3A_421 = tpu.memref_squeeze %dma_wait3A_420 : memref<1x2048xf32, #tpu.memory_space<vmem>> -> memref<2048xf32, #tpu.memory_space<vmem>>
      %dma_wait3A_422 = arith.constant 12288 : i32
      %dma_wait3A_423 = tpu.memref_slice %arg5[%scan3A_6, %add3A, %dma_wait3A_422] : memref<26x32x16384xf32, #tpu.memory_space<hbm>> -> memref<1x1x2048xf32, #tpu.memory_space<hbm>>
      %dma_wait3A_424 = tpu.memref_squeeze %dma_wait3A_423 : memref<1x1x2048xf32, #tpu.memory_space<hbm>> -> memref<2048xf32, #tpu.memory_space<hbm>>
      %dma_wait3A_425 = arith.constant 12288 : i32
      %dma_wait3A_426 = tpu.memref_slice %arg5[%scan3A_6, %add3A, %dma_wait3A_425] : memref<26x32x16384xf32, #tpu.memory_space<hbm>> -> memref<1x1x2048xf32, #tpu.memory_space<hbm>>
      %dma_wait3A_427 = tpu.memref_squeeze %dma_wait3A_426 : memref<1x1x2048xf32, #tpu.memory_space<hbm>> -> memref<2048xf32, #tpu.memory_space<hbm>>
      %dma_wait3A_428 = arith.constant 0 : i32
      %dma_wait3A_429 = tpu.memref_slice %arg8[%dma_wait3A_418, %dma_wait3A_428] : memref<2x2048xf32, #tpu.memory_space<vmem>> -> memref<1x2048xf32, #tpu.memory_space<vmem>>
      %dma_wait3A_430 = tpu.memref_squeeze %dma_wait3A_429 : memref<1x2048xf32, #tpu.memory_space<vmem>> -> memref<2048xf32, #tpu.memory_space<vmem>>
      tpu.wait_dma2 semaphore(%arg12 : memref<!tpu.dma_semaphore, #tpu.memory_space<semaphore_mem>>) src(%dma_wait3A_430 : memref<2048xf32, #tpu.memory_space<vmem>>) dst(%dma_wait3A_427 : memref<2048xf32, #tpu.memory_space<hbm>>)
      %dma_wait3A_431 = arith.constant 1 : i32
      %dma_wait3A_432 = arith.constant 0 : i32
      %dma_wait3A_433 = tpu.memref_slice %arg8[%dma_wait3A_431, %dma_wait3A_432] : memref<2x2048xf32, #tpu.memory_space<vmem>> -> memref<1x2048xf32, #tpu.memory_space<vmem>>
      %dma_wait3A_434 = tpu.memref_squeeze %dma_wait3A_433 : memref<1x2048xf32, #tpu.memory_space<vmem>> -> memref<2048xf32, #tpu.memory_space<vmem>>
      %dma_wait3A_435 = arith.constant 14336 : i32
      %dma_wait3A_436 = tpu.memref_slice %arg5[%scan3A_6, %add3A, %dma_wait3A_435] : memref<26x32x16384xf32, #tpu.memory_space<hbm>> -> memref<1x1x2048xf32, #tpu.memory_space<hbm>>
      %dma_wait3A_437 = tpu.memref_squeeze %dma_wait3A_436 : memref<1x1x2048xf32, #tpu.memory_space<hbm>> -> memref<2048xf32, #tpu.memory_space<hbm>>
      %dma_wait3A_438 = arith.constant 14336 : i32
      %dma_wait3A_439 = tpu.memref_slice %arg5[%scan3A_6, %add3A, %dma_wait3A_438] : memref<26x32x16384xf32, #tpu.memory_space<hbm>> -> memref<1x1x2048xf32, #tpu.memory_space<hbm>>
      %dma_wait3A_440 = tpu.memref_squeeze %dma_wait3A_439 : memref<1x1x2048xf32, #tpu.memory_space<hbm>> -> memref<2048xf32, #tpu.memory_space<hbm>>
      %dma_wait3A_441 = arith.constant 0 : i32
      %dma_wait3A_442 = tpu.memref_slice %arg8[%dma_wait3A_431, %dma_wait3A_441] : memref<2x2048xf32, #tpu.memory_space<vmem>> -> memref<1x2048xf32, #tpu.memory_space<vmem>>
      %dma_wait3A_443 = tpu.memref_squeeze %dma_wait3A_442 : memref<1x2048xf32, #tpu.memory_space<vmem>> -> memref<2048xf32, #tpu.memory_space<vmem>>
      tpu.wait_dma2 semaphore(%arg13 : memref<!tpu.dma_semaphore, #tpu.memory_space<semaphore_mem>>) src(%dma_wait3A_443 : memref<2048xf32, #tpu.memory_space<vmem>>) dst(%dma_wait3A_440 : memref<2048xf32, #tpu.memory_space<hbm>>)
    }
    %scan3A_5 = arith.constant 26 : i32
    return
  }
}

</mosaic_0001>

<sc_bundles>
// kernel: kernel.3.cloned.1.call-start
scs
__scs_entry_jumppad:
0x0: {  	(pc) =	sbr.rel $0x88, $3  }
0x1: {  	(tag) =	ssettag $0x0;
	lr =	simm.s32 $0x1  }
0x2: {  	[smem:$0x3F9E] =	sst lr;
	_ =	strace $0xD0000000  }
0x3: {  	_ = 	snop  }
0x4: {  	_ = 	snop  }
0x5: {  	_ = 	snop  }
0x6: {  	_ = 	snop  }
0x7: {  	_ = 	snop  }
__scs_overlays_trampoline_lowered:
0x8: {  	[smem:$0x3FAD] =	sst s0  }
0x9: {  	[smem:$0x3FAE] =	sst s1  }
0xa: {  	[smem:$0x3FAF] =	sst s2  }
0xb: {  	[smem:$0x3FB0] =	sst s3  }
0xc: {  	[smem:$0x3FB1] =	sst s4  }
0xd: {  	[smem:$0x3FB2] =	sst s5  }
0xe: {  	[smem:$0x3FB3] =	sst s6  }
0xf: {  	[smem:$0x3FB4] =	sst s7  }
0x10: {  	[smem:$0x3FB5] =	sst s8  }
0x11: {  	[smem:$0x3FB6] =	sst s9;
	s0 =	simm.s32 @!p0 $0x0  }
0x12: {  	s1 =	sld [smem:$0x3F9C];
	s0 =	simm.s32 @p0 $0x1  }
0x13: {  	[smem:$0x3FB7] =	sst s0;
	s0 =	simm.s32 @!p1 $0x0  }
0x14: {  	s2 =	sld [smem:$0x3F9B];
	s0 =	simm.s32 @p1 $0x1  }
0x15: {  	[smem:$0x3FB8] =	sst s0;
	s0 =	simm.s32 @!p2 $0x0  }
0x16: {  	s3 =	sld [smem:$0x3FDB];
	s0 =	simm.s32 @p2 $0x1  }
0x17: {  	s4 =	simm.s32 $0x1BF5;
	[smem:$0x3FBA] =	sst s0  }
0x18: {  	s0 =	sld [smem:$0x3F9D];
	_ =	swait.ge [sflag:s4], $0x0  }
0x19: {  	s7 =	sld [smem:$0x3F9E]  }
0x1a: {  	s8 =	sadd.s32 $0xFFFFE003, lr  }
0x1b: {  	s9 =	sadd.s32 $0xFFFFFEF7, lr;
	s5 =	simm.s32 $0xFFFFFFFF;
	p2 =	slt.u32 s8, $0xFFFFF086  }
0x1c: {  	p1 =	slt.u32 s9, $0xF7A;
	s5 =	simm.s32 @!p2 $0x0  }
0x1d: {  	s5 =	simm.s32 @p1 $0x1;
	p0 =	seq.s32 s7, s2  }
0x1e: {  	s7 =	smul.u32 @!p0 $0xF7A, s2;
	p2 =	seq.s32 @!p0 s5, $0x0  }
0x1f: {  	s9 =	smul.u32 $0xF7A, s1;
	s8 =	simm.s32 @!p0 $0x1BF5;
	p2 =	por !p2, p0  }
0x20: {  	[sflag:s8] =	ssyncset.s32 @!p0 $0xFFFFF086;
	s6 =	sadd.s32 @!p0 s3, s7;
	s7 =	simm.s32 @!p0 $0x108  }
0x21: {  	s3 =	sadd.s32 s3, s9;
	s6 =	sadd.s32 @!p0 $0x88, s6;
	s7 =	simm.s32 @p2 $0x1082  }
0x22: {  	[simem:s7], [sflag:s8] =	dma.local @!p0 [hbm:s6], $0xF7A  }
0x23: {  	s9 =	sor.u32 $0xD0000000, s2;
	s6 =	simm.s32 $0x108;
	_ =	swait.ge @!p0 [sflag:s8], $0x0  }
0x24: {  	s3 =	sadd.s32 $0x88, s3;
	s6 =	simm.s32 @!p1 $0x1082;
	[sflag:s4] =	ssyncset.s32 $0xFFFFF086  }
0x25: {  	[simem:s6], [sflag:s4] =	dma.local [hbm:s3], $0xF7A  }
0x26: {  	[smem:$0x3F9E] =	sst s1;
	(tag) =	ssettag s2;
	_ =	strace s9  }
0x27: {  	s1 =	sld [smem:$0x3FAE]  }
0x28: {  	s2 =	sld [smem:$0x3FAF]  }
0x29: {  	s4 =	sld [smem:$0x3FB1]  }
0x2a: {  	p0 =	seq.s32 s5, $0x0;
	s5 =	sld [smem:$0x3FB2]  }
0x2b: {  	s6 =	sld [smem:$0x3FB3]  }
0x2c: {  	s7 =	sld [smem:$0x3FB4]  }
0x2d: {  	s3 =	simm.s32 $0x108;
	s8 =	sld [smem:$0x3FB5]  }
0x2e: {  	s3 =	simm.s32 @!p0 $0x1082;
	s9 =	sld [smem:$0x3FB6]  }
0x2f: {  	lr =	sadd.s32 s0, s3;
	s0 =	sld [smem:$0x3FAD]  }
0x30: {  	s3 =	sld [smem:$0x3FB0]  }
0x31: {  	[smem:$0x3FB9] =	sst s10  }
0x32: {  	s10 =	sld [smem:$0x3FB7];
	_ =	sdelay $0x3  }
0x33: {  	p0 =	seq.s32 s10, $0x1;
	s10 =	sld [smem:$0x3FB9];
	_ =	sdelay $0x3  }
0x34: {  	[smem:$0x3FB9] =	sst s10  }
0x35: {  	s10 =	sld [smem:$0x3FB8];
	_ =	sdelay $0x3  }
0x36: {  	p1 =	seq.s32 s10, $0x1;
	s10 =	sld [smem:$0x3FB9];
	_ =	sdelay $0x3  }
0x37: {  	[smem:$0x3FB9] =	sst s10  }
0x38: {  	s10 =	sld [smem:$0x3FBA]  }
0x39: {  	_ = 	snop;
	(pc) =	sbr.ind lr, $3  }
0x3a: {  	_ = 	snop  }
0x3b: {  	_ = 	snop  }
0x3c: {  	p2 =	seq.s32 s10, $0x1;
	s10 =	sld [smem:$0x3FB9]  }
0x3d: {  	_ =	shalt  }
0x3e: {  	_ =	shalt  }
0x3f: {  	_ =	shalt  }
0x40: {  	_ =	shalt  }
0x41: {  	_ =	shalt  }
0x42: {  	_ =	shalt  }
0x43: {  	_ =	shalt  }
0x44: {  	_ =	shalt  }
0x45: {  	_ =	shalt  }
0x46: {  	_ =	shalt  }
0x47: {  	_ =	shalt  }
0x48: {  	_ =	shalt  }
0x49: {  	_ =	shalt  }
0x4a: {  	_ =	shalt  }
0x4b: {  	_ =	shalt  }
0x4c: {  	_ =	shalt  }
0x4d: {  	_ =	shalt  }
0x4e: {  	_ =	shalt  }
0x4f: {  	_ =	shalt  }
0x50: {  	_ =	shalt  }
0x51: {  	_ =	shalt  }
0x52: {  	_ =	shalt  }
0x53: {  	_ =	shalt  }
0x54: {  	_ =	shalt  }
0x55: {  	_ =	shalt  }
0x56: {  	_ =	shalt  }
0x57: {  	_ =	shalt  }
0x58: {  	_ =	shalt  }
0x59: {  	_ =	shalt  }
0x5a: {  	_ =	shalt  }
0x5b: {  	_ =	shalt  }
0x5c: {  	_ =	shalt  }
0x5d: {  	_ =	shalt  }
0x5e: {  	_ =	shalt  }
0x5f: {  	_ =	shalt  }
0x60: {  	_ =	shalt  }
0x61: {  	_ =	shalt  }
0x62: {  	_ =	shalt  }
0x63: {  	_ =	shalt  }
0x64: {  	_ =	shalt  }
0x65: {  	_ =	shalt  }
0x66: {  	_ =	shalt  }
0x67: {  	_ =	shalt  }
0x68: {  	_ =	shalt  }
0x69: {  	_ =	shalt  }
0x6a: {  	_ =	shalt  }
0x6b: {  	_ =	shalt  }
0x6c: {  	_ =	shalt  }
0x6d: {  	_ =	shalt  }
0x6e: {  	_ =	shalt  }
0x6f: {  	_ =	shalt  }
0x70: {  	_ =	shalt  }
0x71: {  	_ =	shalt  }
0x72: {  	_ =	shalt  }
0x73: {  	_ =	shalt  }
0x74: {  	_ =	shalt  }
0x75: {  	_ =	shalt  }
0x76: {  	_ =	shalt  }
0x77: {  	_ =	shalt  }
0x78: {  	_ =	shalt  }
0x79: {  	_ =	shalt  }
0x7a: {  	_ =	shalt  }
0x7b: {  	_ =	shalt  }
0x7c: {  	_ =	shalt  }
0x7d: {  	_ =	shalt  }
0x7e: {  	_ =	shalt  }
0x7f: {  	_ =	shalt  }
0x80: {  	_ =	shalt  }
0x81: {  	_ =	shalt  }
0x82: {  	_ =	shalt  }
0x83: {  	_ =	shalt  }
0x84: {  	_ =	shalt  }
0x85: {  	_ =	shalt  }
0x86: {  	_ =	shalt  }
0x87: {  	_ =	shalt  }
.Lfunc_end0:
.L_simem_size_0:
called_computation_lowered:
.L_overlay_start_0:
0x88: {  	s2 =	sld [smem:$0x3FD9]  }
0x89: {  	s3 =	sld [smem:$0x3FFE];
	_ =	sdelay $0x1  }
0x8a: {  	s1 =	srdreg.scid  }
0x8b: {  	s0 =	sand.u32 $0x1, s1  }
0x8c: {  	s18 =	sshll.u32 s0, $0xA;
	s2 =	sadd.s32 s3, s2  }
0x8d: {  	s2 =	sadd.s32 s2, s18  }
0x8e: {  	[smem:$0x3FC5] =	sst s2  }
0x8f: {  	_ = 	snop  }
0x90: {  	s2 =	sld [smem:$0x3FC9]  }
0x91: {  	s19 =	sld [smem:$0x3FC8]  }
0x92: {  	s4 =	sld [smem:$0x3FC7]  }
0x93: {  	s5 =	sld [smem:$0x3FD0];
	(tm) =	ssettm $0x1  }
0x94: {  	s6 =	sld [smem:$0x3FFB];
	_ =	sdelay $0x3  }
0x95: {  	_ =	strace s6  }
0x96: {  	s6 =	sld [smem:$0x3FFC];
	_ =	sdelay $0x3  }
0x97: {  	_ =	strace s6  }
0x98: {  	s6 =	sld [smem:$0x3FFD];
	_ =	sdelay $0x3  }
0x99: {  	_ =	strace s6  }
0x9a: {  	_ =	strace $0x8FFFFFFF  }
0x9b: {  	s20 =	sld [smem:$0x3FDB];
	_ =	sdelay $0x1  }
0x9c: {  	s7 =	simm.s32 $_scs_section_size  }
0x9d: {  	s8 =	simm.s32 $_size__tile_overlayer_lowered;
	s9 =	simm.s32 $_tile_overlayer_lowered  }
0x9e: {  	s23 =	simm.s32 $0x1BFF;
	s22 =	sshll.u32 s9, $0x1;
	s6 =	sadd.s32 s7, s20  }
0x9f: {  	s10 =	simm.s32 $0x0;
	s21 =	sshll.u32 s8, $0x1;
	s8 =	sadd.s32 s22, s6  }
0xa0: {  	[timem:s10], [sflag:s23] =	dma.local [hbm:s8], s21  }
0xa1: {  	_ =	swait.ge [sflag:s23], s21  }
0xa2: {  	s7 =	ssub.s32 $0x0, s21;
	[sflag:s23] =	ssyncset.done $0x0  }
0xa3: {  	[sflag:s23] =	ssyncadd.s32 s7;
	_ =	sdelay $0x1  }
0xa4: {  	s24 =	simm.s32 $0x1B8B  }
0xa5: {  	_ =	swait.ge [sflag:s24], $0x1  }
0xa6: {  	[sflag:s24] =	ssyncset.done $0x0  }
0xa7: {  	s25 =	simm.s32 $0x1B8E;
	[sflag:s24] =	ssyncadd.s32 $0xFFFFFFFF  }
0xa8: {  	s26 =	simm.s32 $execute0_lowered;
	[smem:$0x3FD2] =	sst s25  }
0xa9: {  	s7 =	sshll.u32 s26, $0x1;
	_ =	strace $0x80000046;
	[dreg:$0x1] =	wrdreg $0xFFFFFFFF  }
0xaa: {  	s28 =	simm.s32 $_size_execute0_lowered;
	s6 =	sadd.s32 s6, s7;
	[dreg:$0x0] =	wrdreg $0x0  }
0xab: {  	s7 =	sshll.u32 s28, $0x1;
	[dreg:$0x2] =	wrdreg s6  }
0xac: {  	[dreg:$0x3] =	wrdreg s7  }
0xad: {  	[dreg:$0x4] =	wrdreg $0xC0  }
0xae: {  	_ =	task [dreg:s10], $0x5FFFF  }
0xaf: {  	[dreg:$0x1] =	wrdreg $0xFFFFFFFF  }
0xb0: {  	[dreg:$0x0] =	wrdreg $0x60  }
0xb1: {  	[dreg:$0x2] =	wrdreg s19  }
0xb2: {  	[dreg:$0x3] =	wrdreg s2  }
0xb3: {  	[dreg:$0x4] =	wrdreg s4  }
0xb4: {  	[dreg:$0x5] =	wrdreg s5  }
0xb5: {  	[dreg:$0x6] =	wrdreg $0x9  }
0xb6: {  	_ =	task.clear_ibuf [dreg:s10], $0x7FFFF;
	_ =	strace $0x90000046  }
0xb7: {  	s29 =	simm.s32 $0x9;
	_ =	strace $0x80000048  }
0xb8: {  	_ =	swait.ge [sflag:s29], $0x1  }
0xb9: {  	[sflag:s29] =	ssyncadd.s32 $0xFFFFFFFF  }
0xba: {  	_ =	strace $0x90000048  }
0xbb: {  	_ =	sfence  }
0xbc: {  	s30 =	sld [smem:$0x0];
	_ =	sdelay $0x2  }
0xbd: {  	s31 =	sshll.u32 s1, $0xD;
	s1 =	sshrl.u32 s1, $0x2  }
0xbe: {  	s3 =	sand.u32 $0x4000, s31;
	s1 =	sadd.s32 s1, s30  }
0xbf: {  	s0 =	sor.u32 s3, s0;
	s1 =	sshll.u32 s1, $0x11  }
0xc0: {  	s0 =	sor.u32 s1, s0  }
0xc1: {  	s0 =	sadd.s32 $0x8F2B, s0  }
0xc2: {  	[sflag:s0] =	ssyncadd.remote.s32 $0x1  }
0xc3: {  	_ =	sfence.sel $0xFFFF  }
0xc4: {  	[dreg:$0x0] =	wrdreg $0xFFFFFFFF;
	(pc) =	sbr.abs _section_cstart, $3  }
0xc5: {  	[dreg:$0x1] =	wrdreg $0xFFFFFFFF  }
0xc6: {  	_ =	task.clear_ibuf [dreg:s10], $0x2FFFF;
	_ =	strace $0x9FFFFFFF  }
0xc7: {  	(tm) =	ssettm $0x7FFFFFFF  }
tec
execute0_lowered:
.L_overlay_start_1:
0x0: {  	(tag) =	ssettag $0x1  }
0x1: {  	s5 =	rddreg [dreg:$0x1]  }
0x2: {  	s8 =	rddreg [dreg:$0x3]  }
0x3: {  	s6 =	simm.s32 $0x0;
	s0 =	srdreg.scid;
	s3 =	stileid.u32  }
0x4: {  	s28 =	simm.s32 $0x5;
	[smem:$0x7FF] =	sst s6;
	s12 =	sadd.s32 $0x800, s5  }
0x5: {  	s13 =	sadd.s32 $0x1000, s5;
	_ =	strace $0x80000047;
	[dreg:$0x7] =	wrdreg s12  }
0x6: {  	s29 =	simm.s32 $0x19D80;
	s14 =	sadd.s32 $0x800, s8;
	[dreg:$0x9] =	wrdreg s13  }
0x7: {  	s30 =	simm.s32 $0x19E80;
	s15 =	sadd.s32 $0x1800, s5;
	[dreg:$0xa] =	wrdreg s14  }
0x8: {  	s31 =	simm.s32 $0x19F80;
	s16 =	sadd.s32 $0x1000, s8;
	[dreg:$0xb] =	wrdreg s15  }
0x9: {  	s0 =	sand.u32 $0x1, s0;
	s17 =	sadd.s32 $0x2000, s5;
	[dreg:$0xc] =	wrdreg s16  }
0xa: {  	s1 =	sshll.u32 s3, $0x1;
	s18 =	sadd.s32 $0x1800, s8;
	[dreg:$0xd] =	wrdreg s17  }
0xb: {  	s26 =	sshrl.u32 s3, $0x2;
	s19 =	sadd.s32 $0x2800, s5;
	[dreg:$0xe] =	wrdreg s18  }
0xc: {  	s20 =	sadd.s32 $0x2000, s8;
	s21 =	sadd.s32 $0x3000, s5;
	[dreg:$0xf] =	wrdreg s19  }
0xd: {  	s22 =	sadd.s32 $0x2800, s8;
	s23 =	sadd.s32 $0x3800, s5;
	[dreg:$0x10] =	wrdreg s20  }
0xe: {  	s24 =	sadd.s32 $0x3000, s8;
	s25 =	sadd.s32 $0x3800, s8;
	[dreg:$0x11] =	wrdreg s21  }
0xf: {  	s3 =	simm.s32 $0x1A480;
	s5 =	simm.s32 $0x1A680;
	[dreg:$0x12] =	wrdreg s22  }
0x10: {  	s8 =	simm.s32 $0x0;
	s2 =	ssub.s32 $0x2, s0;
	[dreg:$0x13] =	wrdreg s23  }
0x11: {  	s7 =	sor.u32 s0, s1;
	s4 =	smul.u32 $0xC3800, s26;
	[dreg:$0x14] =	wrdreg s24  }
0x12: {  	s0 =	sshll.u32 s26, $0x11;
	[dreg:$0x15] =	wrdreg s25;
	s12 =	simm.s32 $0x1  }
0x13: {  	s14 =	simm.s32 $0x1A400;
	s15 =	simm.s32 $0x1A500;
	s16 =	simm.s32 $0x1A600  }
0x14: {  	s17 =	simm.s32 $0x2;
	s18 =	simm.s32 $0x19780;
	s19 =	simm.s32 $0x19880  }
0x15: {  	s20 =	simm.s32 $0x19980;
	s21 =	simm.s32 $0x19A80;
	s22 =	simm.s32 $0x19B80  }
0x16: {  	s23 =	simm.s32 $0x19C80;
	s24 =	simm.s32 $0x1A280;
	s25 =	simm.s32 $0x3  }
0x17: {  	s9 =	sshrl.u32 s2, $0x1;
	s10 =	sshll.u32 s7, $0x7;
	[dreg:$0x8] =	wrdreg s0  }
0x18: {  	s0 =	simm.s32 $0x1A080;
	s1 =	ssub.s32 s2, s9;
	s11 =	sand.u32 $0x380, s10  }
0x19: {  	[dreg:$0x5] =	wrdreg s11;
	s2 =	sor.u32 s11, s4;
	s26 =	smax.u32 s1, $0x1  }
0x1a: {  	s4 =	simm.s32 $0x1A180;
	s1 =	simm.s32 $0x1A380;
	[dreg:$0x6] =	wrdreg s2  }
0x1b: {  	v0 =	vmov s7;
	[dreg:$0x16] =	wrdreg s26;
	s2 =	simm.s32 $0x1A580;
	s26 =	simm.s32 $0x4  }
.LBB2_1:
0x1c: {  	[dreg:$0x17] =	wrdreg s8;
	s8 =	simm.s32 $0x0  }
.LBB2_2:
0x1d: {  	s7 =	smul.u32 $0x30E000, s8  }
0x1e: {  	s9 =	rddreg [dreg:$0x6]  }
0x1f: {  	s7 =	sadd.s32 s9, s7  }
0x20: {  	s11 =	rddreg [dreg:$0x0];
	s7 =	sshrl.u32 s7, $0x3  }
0x21: {  	s13 =	simm.s32 $0x80;
	s10 =	simm.s32 $0x400;
	s7 =	sadd.s32 s11, s7  }
0x22: {  	[tilespmem:s6], [sflag:$0x5] =	stream.strided.gather [hbm4b:s7+s13], $0x18700, s10, s13, $0x38;
	[tilespmem:$0x1A780] =	vst v63  }
0x23: {  	s9 =	sshrl.u32 s8, $0x3;
	s10 =	sshll.u32 s8, $0x7;
	_ =	swait.ge [sflag:s28], $0x18700  }
0x24: {  	s11 =	sshll.u32 s9, $0xA;
	s7 =	sand.u32 $0x380, s10;
	[sflag:s28] =	ssyncset.done $0x0  }
0x25: {  	s10 =	sor.u32 s7, s11;
	[sflag:s28] =	ssyncadd.s32 $0xFFFE7900  }
0x26: {  	s10 =	sshrl.u32 s10, $0x3;
	s11 =	rddreg [dreg:$0x2]  }
0x27: {  	s13 =	simm.s32 $0x1A700;
	s10 =	sadd.s32 s11, s10  }
0x28: {  	[tilespmem:s13], [sflag:$0x5] =	stream.linear.gather [hbm4b:s10+s6], $0x80, $0x38;
	[tilespmem:$0x1A780] =	vst v63  }
0x29: {  	_ =	swait.ge [sflag:s28], $0x80  }
0x2a: {  	s9 =	sshll.u32 s9, $0x11;
	[sflag:s28] =	ssyncset.done $0x0  }
0x2b: {  	s7 =	sor.u32 s7, s9;
	[sflag:s28] =	ssyncadd.s32 $0xFFFFFF80  }
0x2c: {  	s9 =	sshrl.u32 s7, $0x3;
	s11 =	rddreg [dreg:$0x1]  }
0x2d: {  	v1 =	vld.idx.msk [tilespmem:v0+s13+$0x0], $0xffff;
	s13 =	simm.s32 $0x18700;
	s7 =	sadd.s32 s11, s9  }
0x2e: {  	[tilespmem:s13], [sflag:$0x1] =	stream.linear.gather [hbm4b:s7+s6], $0x80, $0x38;
	[tilespmem:$0x1A780] =	vst v63  }
0x2f: {  	s11 =	sadd.s32 $0x80, s7;
	s13 =	simm.s32 $0x18800  }
0x30: {  	[tilespmem:s13], [sflag:$0x1] =	stream.linear.gather [hbm4b:s11+s6], $0x80, $0x38;
	[tilespmem:$0x1A780] =	vst v63  }
0x31: {  	s11 =	sadd.s32 $0x100, s7;
	s13 =	simm.s32 $0x18900  }
0x32: {  	[tilespmem:s13], [sflag:$0x1] =	stream.linear.gather [hbm4b:s11+s6], $0x80, $0x38;
	[tilespmem:$0x1A780] =	vst v63  }
0x33: {  	s11 =	sadd.s32 $0x180, s7;
	s13 =	simm.s32 $0x18A00  }
0x34: {  	[tilespmem:s13], [sflag:$0x1] =	stream.linear.gather [hbm4b:s11+s6], $0x80, $0x38;
	[tilespmem:$0x1A780] =	vst v63  }
0x35: {  	s11 =	sadd.s32 $0x200, s7;
	s13 =	simm.s32 $0x18B00  }
0x36: {  	[tilespmem:s13], [sflag:$0x1] =	stream.linear.gather [hbm4b:s11+s6], $0x80, $0x38;
	[tilespmem:$0x1A780] =	vst v63  }
0x37: {  	s11 =	sadd.s32 $0x280, s7;
	s13 =	simm.s32 $0x18C00  }
0x38: {  	[tilespmem:s13], [sflag:$0x1] =	stream.linear.gather [hbm4b:s11+s6], $0x80, $0x38;
	[tilespmem:$0x1A780] =	vst v63  }
0x39: {  	s11 =	sadd.s32 $0x300, s7;
	s13 =	simm.s32 $0x18D00  }
0x3a: {  	[tilespmem:s13], [sflag:$0x1] =	stream.linear.gather [hbm4b:s11+s6], $0x80, $0x38;
	[tilespmem:$0x1A780] =	vst v63  }
0x3b: {  	s11 =	sadd.s32 $0x380, s7;
	s13 =	simm.s32 $0x18E00  }
0x3c: {  	[tilespmem:s13], [sflag:$0x1] =	stream.linear.gather [hbm4b:s11+s6], $0x80, $0x38;
	[tilespmem:$0x1A780] =	vst v63  }
0x3d: {  	s11 =	sadd.s32 $0x400, s7;
	s13 =	simm.s32 $0x18F00  }
0x3e: {  	[tilespmem:s13], [sflag:$0x1] =	stream.linear.gather [hbm4b:s11+s6], $0x80, $0x38;
	[tilespmem:$0x1A780] =	vst v63  }
0x3f: {  	s11 =	sadd.s32 $0x480, s7;
	s13 =	simm.s32 $0x19000  }
0x40: {  	[tilespmem:s13], [sflag:$0x1] =	stream.linear.gather [hbm4b:s11+s6], $0x80, $0x38;
	[tilespmem:$0x1A780] =	vst v63  }
0x41: {  	s11 =	sadd.s32 $0x500, s7;
	s13 =	simm.s32 $0x19100  }
0x42: {  	[tilespmem:s13], [sflag:$0x1] =	stream.linear.gather [hbm4b:s11+s6], $0x80, $0x38;
	[tilespmem:$0x1A780] =	vst v63  }
0x43: {  	s11 =	sadd.s32 $0x580, s7;
	s13 =	simm.s32 $0x19200  }
0x44: {  	[tilespmem:s13], [sflag:$0x1] =	stream.linear.gather [hbm4b:s11+s6], $0x80, $0x38;
	[tilespmem:$0x1A780] =	vst v63  }
0x45: {  	s11 =	sadd.s32 $0x600, s7;
	s13 =	simm.s32 $0x19300  }
0x46: {  	[tilespmem:s13], [sflag:$0x1] =	stream.linear.gather [hbm4b:s11+s6], $0x80, $0x38;
	[tilespmem:$0x1A780] =	vst v63  }
0x47: {  	s11 =	sadd.s32 $0x680, s7;
	s13 =	simm.s32 $0x19400  }
0x48: {  	[tilespmem:s13], [sflag:$0x1] =	stream.linear.gather [hbm4b:s11+s6], $0x80, $0x38;
	[tilespmem:$0x1A780] =	vst v63  }
0x49: {  	s11 =	sadd.s32 $0x700, s7;
	s13 =	simm.s32 $0x19500  }
0x4a: {  	[tilespmem:s13], [sflag:$0x1] =	stream.linear.gather [hbm4b:s11+s6], $0x80, $0x38;
	[tilespmem:$0x1A780] =	vst v63  }
0x4b: {  	s7 =	sadd.s32 $0x780, s7;
	s13 =	simm.s32 $0x19600  }
0x4c: {  	[tilespmem:s13], [sflag:$0x1] =	stream.linear.gather [hbm4b:s7+s6], $0x80, $0x38;
	[tilespmem:$0x1A780] =	vst v63  }
0x4d: {  	_ =	swait.ge [sflag:s12], $0x800  }
0x4e: {  	[sflag:s12] =	ssyncset.done $0x0;
	s11 =	rddreg [dreg:$0x7]  }
0x4f: {  	s13 =	simm.s32 $0x18780;
	[sflag:s12] =	ssyncadd.s32 $0xFFFFF800;
	s7 =	sadd.s32 s9, s11  }
0x50: {  	[tilespmem:s13], [sflag:$0x2] =	stream.linear.gather [hbm4b:s7+s6], $0x80, $0x38;
	[tilespmem:$0x1A780] =	vst v63  }
0x51: {  	s11 =	sadd.s32 $0x80, s7;
	s13 =	simm.s32 $0x18880  }
0x52: {  	[tilespmem:s13], [sflag:$0x2] =	stream.linear.gather [hbm4b:s11+s6], $0x80, $0x38;
	[tilespmem:$0x1A780] =	vst v63  }
0x53: {  	s11 =	sadd.s32 $0x100, s7;
	s13 =	simm.s32 $0x18980  }
0x54: {  	[tilespmem:s13], [sflag:$0x2] =	stream.linear.gather [hbm4b:s11+s6], $0x80, $0x38;
	[tilespmem:$0x1A780] =	vst v63  }
0x55: {  	s11 =	sadd.s32 $0x180, s7;
	s13 =	simm.s32 $0x18A80  }
0x56: {  	[tilespmem:s13], [sflag:$0x2] =	stream.linear.gather [hbm4b:s11+s6], $0x80, $0x38;
	[tilespmem:$0x1A780] =	vst v63  }
0x57: {  	s11 =	sadd.s32 $0x200, s7;
	s13 =	simm.s32 $0x18B80  }
0x58: {  	[tilespmem:s13], [sflag:$0x2] =	stream.linear.gather [hbm4b:s11+s6], $0x80, $0x38;
	[tilespmem:$0x1A780] =	vst v63  }
0x59: {  	s11 =	sadd.s32 $0x280, s7;
	s13 =	simm.s32 $0x18C80  }
0x5a: {  	[tilespmem:s13], [sflag:$0x2] =	stream.linear.gather [hbm4b:s11+s6], $0x80, $0x38;
	[tilespmem:$0x1A780] =	vst v63  }
0x5b: {  	s11 =	sadd.s32 $0x300, s7;
	s13 =	simm.s32 $0x18D80  }
0x5c: {  	[tilespmem:s13], [sflag:$0x2] =	stream.linear.gather [hbm4b:s11+s6], $0x80, $0x38;
	[tilespmem:$0x1A780] =	vst v63  }
0x5d: {  	s11 =	sadd.s32 $0x380, s7;
	s13 =	simm.s32 $0x18E80  }
0x5e: {  	[tilespmem:s13], [sflag:$0x2] =	stream.linear.gather [hbm4b:s11+s6], $0x80, $0x38;
	[tilespmem:$0x1A780] =	vst v63  }
0x5f: {  	s11 =	sadd.s32 $0x400, s7;
	s13 =	simm.s32 $0x18F80  }
0x60: {  	[tilespmem:s13], [sflag:$0x2] =	stream.linear.gather [hbm4b:s11+s6], $0x80, $0x38;
	[tilespmem:$0x1A780] =	vst v63  }
0x61: {  	s11 =	sadd.s32 $0x480, s7;
	s13 =	simm.s32 $0x19080  }
0x62: {  	[tilespmem:s13], [sflag:$0x2] =	stream.linear.gather [hbm4b:s11+s6], $0x80, $0x38;
	[tilespmem:$0x1A780] =	vst v63  }
0x63: {  	s11 =	sadd.s32 $0x500, s7;
	s13 =	simm.s32 $0x19180  }
0x64: {  	[tilespmem:s13], [sflag:$0x2] =	stream.linear.gather [hbm4b:s11+s6], $0x80, $0x38;
	[tilespmem:$0x1A780] =	vst v63  }
0x65: {  	s11 =	sadd.s32 $0x580, s7;
	s13 =	simm.s32 $0x19280  }
0x66: {  	[tilespmem:s13], [sflag:$0x2] =	stream.linear.gather [hbm4b:s11+s6], $0x80, $0x38;
	[tilespmem:$0x1A780] =	vst v63  }
0x67: {  	s11 =	sadd.s32 $0x600, s7;
	s13 =	simm.s32 $0x19380  }
0x68: {  	[tilespmem:s13], [sflag:$0x2] =	stream.linear.gather [hbm4b:s11+s6], $0x80, $0x38;
	[tilespmem:$0x1A780] =	vst v63  }
0x69: {  	s11 =	sadd.s32 $0x680, s7;
	s13 =	simm.s32 $0x19480  }
0x6a: {  	[tilespmem:s13], [sflag:$0x2] =	stream.linear.gather [hbm4b:s11+s6], $0x80, $0x38;
	[tilespmem:$0x1A780] =	vst v63  }
0x6b: {  	s11 =	sadd.s32 $0x700, s7;
	s13 =	simm.s32 $0x19580  }
0x6c: {  	[tilespmem:s13], [sflag:$0x2] =	stream.linear.gather [hbm4b:s11+s6], $0x80, $0x38;
	[tilespmem:$0x1A780] =	vst v63  }
0x6d: {  	s7 =	sadd.s32 $0x780, s7;
	s11 =	simm.s32 $0x19680;
	s13 =	simm.s32 $0x18740  }
0x6e: {  	[tilespmem:s11], [sflag:$0x2] =	stream.linear.gather [hbm4b:s7+s6], $0x80, $0x38;
	[tilespmem:$0x1A780] =	vst v63  }
0x6f: {  	v2 =	vld [tilespmem:s13+$0x30]  }
0x70: {  	v3 =	vld [tilespmem:s13+$0xFFFFFFD0]  }
0x71: {  	v4 =	vld [tilespmem:s13+$0xFFFFFFE0]  }
0x72: {  	v5 =	vld [tilespmem:s13+$0xFFFFFFF0]  }
0x73: {  	v8 =	vld [tilespmem:s13+$0x0]  }
0x74: {  	v9 =	vld [tilespmem:s13+$0x10]  }
0x75: {  	v10 =	vld [tilespmem:s13+$0x20]  }
0x76: {  	v11 =	vld [tilespmem:s13+$0xFFFFFFC0]  }
0x77: {  	v12 =	vld.idx.msk [tilespmem:v2+s6+$0x0], $0xffff  }
0x78: {  	v13 =	vld.idx.msk [tilespmem:v3+s6+$0x0], $0xffff  }
0x79: {  	v7 =	vld.idx.msk [tilespmem:v4+s6+$0x0], $0xffff  }
0x7a: {  	v6 =	vld.idx.msk [tilespmem:v5+s6+$0x0], $0xffff  }
0x7b: {  	v5 =	vld.idx.msk [tilespmem:v8+s6+$0x0], $0xffff  }
0x7c: {  	v4 =	vld.idx.msk [tilespmem:v9+s6+$0x0], $0xffff  }
0x7d: {  	v2 =	vld.idx.msk [tilespmem:v10+s6+$0x0], $0xffff;
	v8 =	vadd.f32 v12, v1  }
0x7e: {  	s10 =	simm.s32 $0x19740;
	s7 =	simm.s32 $0x0;
	s11 =	simm.s32 $0x18840;
	v3 =	vld.idx.msk [tilespmem:v11+s6+$0x0], $0xffff;
	v9 =	vadd.f32 v13, v1  }
.LBB2_3:
0x7f: {  	v10 =	vld [tilespmem:s11+$0x30];
	s7 =	sadd.s32 $0x8, s7;
	v7 =	vadd.f32 v7, v1;
	[tilespmem:s10+$0x30] =	vst v8  }
0x80: {  	v6 =	vadd.f32 v6, v1;
	v8 =	vld [tilespmem:s11+$0xFFFFFFD0];
	p0 =	slt.u32 s7, $0x78;
	[tilespmem:s10+$0xFFFFFFD0] =	vst v9  }
0x81: {  	v5 =	vadd.f32 v5, v1;
	v9 =	vld [tilespmem:s11+$0xFFFFFFE0];
	[tilespmem:s10+$0xFFFFFFE0] =	vst v7  }
0x82: {  	v4 =	vadd.f32 v4, v1;
	v11 =	vld [tilespmem:s11+$0xFFFFFFF0];
	[tilespmem:s10+$0xFFFFFFF0] =	vst v6  }
0x83: {  	v2 =	vadd.f32 v2, v1;
	v12 =	vld [tilespmem:s11+$0x0];
	[tilespmem:s10+$0x0] =	vst v5  }
0x84: {  	v3 =	vadd.f32 v3, v1;
	v13 =	vld [tilespmem:s11+$0x10];
	[tilespmem:s10+$0x10] =	vst v4  }
0x85: {  	v14 =	vld [tilespmem:s11+$0x20];
	[tilespmem:s10+$0x20] =	vst v2  }
0x86: {  	v15 =	vld [tilespmem:s11+$0xFFFFFFC0];
	[tilespmem:s10+$0xFFFFFFC0] =	vst v3  }
0x87: {  	v3 =	vld.idx.msk [tilespmem:v10+s6+$0x0], $0xffff  }
0x88: {  	v10 =	vld.idx.msk [tilespmem:v8+s6+$0x0], $0xffff  }
0x89: {  	v7 =	vld.idx.msk [tilespmem:v9+s6+$0x0], $0xffff  }
.Ltmp0:
0x8a: {  	v6 =	vld.idx.msk [tilespmem:v11+s6+$0x0], $0xffff;
	(pc) =	sbr.rel @p0 .LBB2_3-.Ltmp0, $4  }
0x8b: {  	v5 =	vld.idx.msk [tilespmem:v12+s6+$0x0], $0xffff  }
0x8c: {  	v4 =	vld.idx.msk [tilespmem:v13+s6+$0x0], $0xffff  }
0x8d: {  	v8 =	vadd.f32 v3, v1;
	v2 =	vld.idx.msk [tilespmem:v14+s6+$0x0], $0xffff  }
0x8e: {  	s11 =	sadd.s32 $0x100, s11;
	s10 =	sadd.s32 $0x100, s10;
	v9 =	vadd.f32 v10, v1;
	v3 =	vld.idx.msk [tilespmem:v15+s6+$0x0], $0xffff  }
0x8f: {  	v7 =	vadd.f32 v7, v1;
	[tilespmem:s10+$0x30] =	vst v8  }
0x90: {  	v6 =	vadd.f32 v6, v1;
	[tilespmem:s10+$0xFFFFFFD0] =	vst v9  }
0x91: {  	v5 =	vadd.f32 v5, v1;
	[tilespmem:s10+$0xFFFFFFE0] =	vst v7  }
0x92: {  	[tilespmem:s10+$0xFFFFFFF0] =	vst v6;
	v4 =	vadd.f32 v4, v1  }
0x93: {  	[tilespmem:s10+$0x0] =	vst v5  }
0x94: {  	s7 =	sshll.u32 s8, $0x13;
	s11 =	rddreg [dreg:$0x8];
	[tilespmem:s10+$0x10] =	vst v4  }
0x95: {  	v2 =	vadd.f32 v2, v1;
	s7 =	sor.u32 s7, s11;
	s13 =	rddreg [dreg:$0x5]  }
0x96: {  	v3 =	vadd.f32 v3, v1;
	s7 =	sor.u32 s13, s7  }
0x97: {  	[tilespmem:s10+$0x20] =	vst v2;
	s11 =	rddreg [dreg:$0x3];
	s7 =	sshrl.u32 s7, $0x3  }
0x98: {  	[tilespmem:s10+$0xFFFFFFC0] =	vst v3;
	s13 =	simm.s32 $0x19700;
	s10 =	sadd.s32 s11, s7  }
0x99: {  	[hbm4b:s10+s6] =	stream.linear.scatter [tilespmem:s13], [sflag:$0x3], $0x80, $0x38;
	[tilespmem:$0x1A780] =	vst v63  }
0x9a: {  	s11 =	sadd.s32 $0x80, s10;
	s13 =	simm.s32 $0x19800  }
0x9b: {  	[hbm4b:s11+s6] =	stream.linear.scatter [tilespmem:s13], [sflag:$0x3], $0x80, $0x38;
	[tilespmem:$0x1A780] =	vst v63  }
0x9c: {  	s11 =	sadd.s32 $0x100, s10;
	s13 =	simm.s32 $0x19900  }
0x9d: {  	[hbm4b:s11+s6] =	stream.linear.scatter [tilespmem:s13], [sflag:$0x3], $0x80, $0x38;
	[tilespmem:$0x1A780] =	vst v63  }
0x9e: {  	s11 =	sadd.s32 $0x180, s10;
	s13 =	simm.s32 $0x19A00  }
0x9f: {  	[hbm4b:s11+s6] =	stream.linear.scatter [tilespmem:s13], [sflag:$0x3], $0x80, $0x38;
	[tilespmem:$0x1A780] =	vst v63  }
0xa0: {  	s11 =	sadd.s32 $0x200, s10;
	s13 =	simm.s32 $0x19B00  }
0xa1: {  	[hbm4b:s11+s6] =	stream.linear.scatter [tilespmem:s13], [sflag:$0x3], $0x80, $0x38;
	[tilespmem:$0x1A780] =	vst v63  }
0xa2: {  	s11 =	sadd.s32 $0x280, s10;
	s13 =	simm.s32 $0x19C00  }
0xa3: {  	[hbm4b:s11+s6] =	stream.linear.scatter [tilespmem:s13], [sflag:$0x3], $0x80, $0x38;
	[tilespmem:$0x1A780] =	vst v63  }
0xa4: {  	s11 =	sadd.s32 $0x300, s10;
	s13 =	simm.s32 $0x19D00  }
0xa5: {  	[hbm4b:s11+s6] =	stream.linear.scatter [tilespmem:s13], [sflag:$0x3], $0x80, $0x38;
	[tilespmem:$0x1A780] =	vst v63  }
0xa6: {  	s11 =	sadd.s32 $0x380, s10;
	s13 =	simm.s32 $0x19E00  }
0xa7: {  	[hbm4b:s11+s6] =	stream.linear.scatter [tilespmem:s13], [sflag:$0x3], $0x80, $0x38;
	[tilespmem:$0x1A780] =	vst v63  }
0xa8: {  	s11 =	sadd.s32 $0x400, s10;
	s13 =	simm.s32 $0x19F00  }
0xa9: {  	[hbm4b:s11+s6] =	stream.linear.scatter [tilespmem:s13], [sflag:$0x3], $0x80, $0x38;
	[tilespmem:$0x1A780] =	vst v63  }
0xaa: {  	s11 =	sadd.s32 $0x480, s10;
	s13 =	simm.s32 $0x1A000  }
0xab: {  	[hbm4b:s11+s6] =	stream.linear.scatter [tilespmem:s13], [sflag:$0x3], $0x80, $0x38;
	[tilespmem:$0x1A780] =	vst v63  }
0xac: {  	s11 =	sadd.s32 $0x500, s10;
	s13 =	simm.s32 $0x1A100  }
0xad: {  	[hbm4b:s11+s6] =	stream.linear.scatter [tilespmem:s13], [sflag:$0x3], $0x80, $0x38;
	[tilespmem:$0x1A780] =	vst v63  }
0xae: {  	s11 =	sadd.s32 $0x580, s10;
	s13 =	simm.s32 $0x1A200  }
0xaf: {  	[hbm4b:s11+s6] =	stream.linear.scatter [tilespmem:s13], [sflag:$0x3], $0x80, $0x38;
	[tilespmem:$0x1A780] =	vst v63  }
0xb0: {  	s11 =	sadd.s32 $0x600, s10;
	s13 =	simm.s32 $0x1A300  }
0xb1: {  	[hbm4b:s11+s6] =	stream.linear.scatter [tilespmem:s13], [sflag:$0x3], $0x80, $0x38;
	[tilespmem:$0x1A780] =	vst v63  }
0xb2: {  	s13 =	sadd.s32 $0x680, s10  }
0xb3: {  	[hbm4b:s13+s6] =	stream.linear.scatter [tilespmem:s14], [sflag:$0x3], $0x80, $0x38;
	[tilespmem:$0x1A780] =	vst v63  }
0xb4: {  	s13 =	sadd.s32 $0x700, s10  }
0xb5: {  	[hbm4b:s13+s6] =	stream.linear.scatter [tilespmem:s15], [sflag:$0x3], $0x80, $0x38;
	[tilespmem:$0x1A780] =	vst v63  }
0xb6: {  	s10 =	sadd.s32 $0x780, s10  }
0xb7: {  	[hbm4b:s10+s6] =	stream.linear.scatter [tilespmem:s16], [sflag:$0x3], $0x80, $0x38;
	[tilespmem:$0x1A780] =	vst v63  }
0xb8: {  	_ =	swait.ge [sflag:s17], $0x800  }
0xb9: {  	[sflag:s17] =	ssyncset.done $0x0;
	s11 =	rddreg [dreg:$0x9]  }
0xba: {  	s13 =	simm.s32 $0x18700;
	[sflag:s17] =	ssyncadd.s32 $0xFFFFF800;
	s10 =	sadd.s32 s9, s11  }
0xbb: {  	[tilespmem:s13], [sflag:$0x1] =	stream.linear.gather [hbm4b:s10+s6], $0x80, $0x38;
	[tilespmem:$0x1A780] =	vst v63  }
0xbc: {  	s11 =	sadd.s32 $0x80, s10;
	s13 =	simm.s32 $0x18800  }
0xbd: {  	[tilespmem:s13], [sflag:$0x1] =	stream.linear.gather [hbm4b:s11+s6], $0x80, $0x38;
	[tilespmem:$0x1A780] =	vst v63  }
0xbe: {  	s11 =	sadd.s32 $0x100, s10;
	s13 =	simm.s32 $0x18900  }
0xbf: {  	[tilespmem:s13], [sflag:$0x1] =	stream.linear.gather [hbm4b:s11+s6], $0x80, $0x38;
	[tilespmem:$0x1A780] =	vst v63  }
0xc0: {  	s11 =	sadd.s32 $0x180, s10;
	s13 =	simm.s32 $0x18A00  }
0xc1: {  	[tilespmem:s13], [sflag:$0x1] =	stream.linear.gather [hbm4b:s11+s6], $0x80, $0x38;
	[tilespmem:$0x1A780] =	vst v63  }
0xc2: {  	s11 =	sadd.s32 $0x200, s10;
	s13 =	simm.s32 $0x18B00  }
0xc3: {  	[tilespmem:s13], [sflag:$0x1] =	stream.linear.gather [hbm4b:s11+s6], $0x80, $0x38;
	[tilespmem:$0x1A780] =	vst v63  }
0xc4: {  	s11 =	sadd.s32 $0x280, s10;
	s13 =	simm.s32 $0x18C00  }
0xc5: {  	[tilespmem:s13], [sflag:$0x1] =	stream.linear.gather [hbm4b:s11+s6], $0x80, $0x38;
	[tilespmem:$0x1A780] =	vst v63  }
0xc6: {  	s11 =	sadd.s32 $0x300, s10;
	s13 =	simm.s32 $0x18D00  }
0xc7: {  	[tilespmem:s13], [sflag:$0x1] =	stream.linear.gather [hbm4b:s11+s6], $0x80, $0x38;
	[tilespmem:$0x1A780] =	vst v63  }
0xc8: {  	s11 =	sadd.s32 $0x380, s10;
	s13 =	simm.s32 $0x18E00  }
0xc9: {  	[tilespmem:s13], [sflag:$0x1] =	stream.linear.gather [hbm4b:s11+s6], $0x80, $0x38;
	[tilespmem:$0x1A780] =	vst v63  }
0xca: {  	s11 =	sadd.s32 $0x400, s10;
	s13 =	simm.s32 $0x18F00  }
0xcb: {  	[tilespmem:s13], [sflag:$0x1] =	stream.linear.gather [hbm4b:s11+s6], $0x80, $0x38;
	[tilespmem:$0x1A780] =	vst v63  }
0xcc: {  	s11 =	sadd.s32 $0x480, s10;
	s13 =	simm.s32 $0x19000  }
0xcd: {  	[tilespmem:s13], [sflag:$0x1] =	stream.linear.gather [hbm4b:s11+s6], $0x80, $0x38;
	[tilespmem:$0x1A780] =	vst v63  }
0xce: {  	s11 =	sadd.s32 $0x500, s10;
	s13 =	simm.s32 $0x19100  }
0xcf: {  	[tilespmem:s13], [sflag:$0x1] =	stream.linear.gather [hbm4b:s11+s6], $0x80, $0x38;
	[tilespmem:$0x1A780] =	vst v63  }
0xd0: {  	s11 =	sadd.s32 $0x580, s10;
	s13 =	simm.s32 $0x19200  }
0xd1: {  	[tilespmem:s13], [sflag:$0x1] =	stream.linear.gather [hbm4b:s11+s6], $0x80, $0x38;
	[tilespmem:$0x1A780] =	vst v63  }
0xd2: {  	s11 =	sadd.s32 $0x600, s10;
	s13 =	simm.s32 $0x19300  }
0xd3: {  	[tilespmem:s13], [sflag:$0x1] =	stream.linear.gather [hbm4b:s11+s6], $0x80, $0x38;
	[tilespmem:$0x1A780] =	vst v63  }
0xd4: {  	s11 =	sadd.s32 $0x680, s10;
	s13 =	simm.s32 $0x19400  }
0xd5: {  	[tilespmem:s13], [sflag:$0x1] =	stream.linear.gather [hbm4b:s11+s6], $0x80, $0x38;
	[tilespmem:$0x1A780] =	vst v63  }
0xd6: {  	s11 =	sadd.s32 $0x700, s10;
	s13 =	simm.s32 $0x19500  }
0xd7: {  	[tilespmem:s13], [sflag:$0x1] =	stream.linear.gather [hbm4b:s11+s6], $0x80, $0x38;
	[tilespmem:$0x1A780] =	vst v63  }
0xd8: {  	s10 =	sadd.s32 $0x780, s10;
	s13 =	simm.s32 $0x19600  }
0xd9: {  	[tilespmem:s13], [sflag:$0x1] =	stream.linear.gather [hbm4b:s10+s6], $0x80, $0x38;
	[tilespmem:$0x1A780] =	vst v63  }
0xda: {  	s13 =	simm.s32 $0x187F0  }
0xdb: {  	v2 =	vld [tilespmem:s13+$0x0]  }
0xdc: {  	v3 =	vld [tilespmem:s13+$0xFFFFFFA0]  }
0xdd: {  	v4 =	vld [tilespmem:s13+$0xFFFFFFB0]  }
0xde: {  	v5 =	vld [tilespmem:s13+$0xFFFFFFC0]  }
0xdf: {  	v8 =	vld [tilespmem:s13+$0xFFFFFFD0]  }
0xe0: {  	v9 =	vld [tilespmem:s13+$0xFFFFFFE0]  }
0xe1: {  	v10 =	vld [tilespmem:s13+$0xFFFFFFF0]  }
0xe2: {  	v11 =	vld [tilespmem:s13+$0xFFFFFF90]  }
0xe3: {  	v12 =	vld.idx.msk [tilespmem:v2+s6+$0x0], $0xffff  }
0xe4: {  	v13 =	vld.idx.msk [tilespmem:v3+s6+$0x0], $0xffff  }
0xe5: {  	v7 =	vld.idx.msk [tilespmem:v4+s6+$0x0], $0xffff  }
0xe6: {  	v6 =	vld.idx.msk [tilespmem:v5+s6+$0x0], $0xffff  }
0xe7: {  	v5 =	vld.idx.msk [tilespmem:v8+s6+$0x0], $0xffff  }
0xe8: {  	v3 =	vld.idx.msk [tilespmem:v9+s6+$0x0], $0xffff  }
0xe9: {  	v2 =	vld.idx.msk [tilespmem:v10+s6+$0x0], $0xffff;
	v8 =	vadd.f32 v12, v1  }
0xea: {  	s11 =	simm.s32 $0x0;
	s10 =	simm.s32 $0x197F0;
	s13 =	simm.s32 $0x188F0;
	v4 =	vld.idx.msk [tilespmem:v11+s6+$0x0], $0xffff;
	v9 =	vadd.f32 v13, v1  }
.LBB2_5:
0xeb: {  	v10 =	vld [tilespmem:s13+$0x0];
	s11 =	sadd.s32 $0x8, s11;
	v7 =	vadd.f32 v7, v1;
	[tilespmem:s10+$0x0] =	vst v8  }
0xec: {  	v6 =	vadd.f32 v6, v1;
	v8 =	vld [tilespmem:s13+$0xFFFFFFA0];
	p0 =	slt.u32 s11, $0x78;
	[tilespmem:s10+$0xFFFFFFA0] =	vst v9  }
0xed: {  	v5 =	vadd.f32 v5, v1;
	v9 =	vld [tilespmem:s13+$0xFFFFFFB0];
	[tilespmem:s10+$0xFFFFFFB0] =	vst v7  }
0xee: {  	v3 =	vadd.f32 v3, v1;
	v11 =	vld [tilespmem:s13+$0xFFFFFFC0];
	[tilespmem:s10+$0xFFFFFFC0] =	vst v6  }
0xef: {  	v2 =	vadd.f32 v2, v1;
	v12 =	vld [tilespmem:s13+$0xFFFFFFD0];
	[tilespmem:s10+$0xFFFFFFD0] =	vst v5  }
0xf0: {  	v4 =	vadd.f32 v4, v1;
	v13 =	vld [tilespmem:s13+$0xFFFFFFE0];
	[tilespmem:s10+$0xFFFFFFE0] =	vst v3  }
0xf1: {  	v14 =	vld [tilespmem:s13+$0xFFFFFFF0];
	[tilespmem:s10+$0xFFFFFFF0] =	vst v2  }
0xf2: {  	v15 =	vld [tilespmem:s13+$0xFFFFFF90];
	[tilespmem:s10+$0xFFFFFF90] =	vst v4  }
0xf3: {  	v4 =	vld.idx.msk [tilespmem:v10+s6+$0x0], $0xffff  }
0xf4: {  	v10 =	vld.idx.msk [tilespmem:v8+s6+$0x0], $0xffff  }
0xf5: {  	v7 =	vld.idx.msk [tilespmem:v9+s6+$0x0], $0xffff  }
.Ltmp1:
0xf6: {  	v6 =	vld.idx.msk [tilespmem:v11+s6+$0x0], $0xffff;
	(pc) =	sbr.rel @p0 .LBB2_5-.Ltmp1, $4  }
0xf7: {  	v5 =	vld.idx.msk [tilespmem:v12+s6+$0x0], $0xffff  }
0xf8: {  	v3 =	vld.idx.msk [tilespmem:v13+s6+$0x0], $0xffff  }
0xf9: {  	v8 =	vadd.f32 v4, v1;
	v2 =	vld.idx.msk [tilespmem:v14+s6+$0x0], $0xffff  }
0xfa: {  	s13 =	sadd.s32 $0x100, s13;
	s10 =	sadd.s32 $0x100, s10;
	v9 =	vadd.f32 v10, v1;
	v4 =	vld.idx.msk [tilespmem:v15+s6+$0x0], $0xffff  }
0xfb: {  	v7 =	vadd.f32 v7, v1;
	[tilespmem:s10+$0x0] =	vst v8  }
0xfc: {  	v6 =	vadd.f32 v6, v1;
	[tilespmem:s10+$0xFFFFFFA0] =	vst v9  }
0xfd: {  	v5 =	vadd.f32 v5, v1;
	[tilespmem:s10+$0xFFFFFFB0] =	vst v7  }
0xfe: {  	[tilespmem:s10+$0xFFFFFFC0] =	vst v6;
	v3 =	vadd.f32 v3, v1  }
0xff: {  	[tilespmem:s10+$0xFFFFFFD0] =	vst v5;
	v2 =	vadd.f32 v2, v1  }
0x100: {  	v4 =	vadd.f32 v4, v1;
	[tilespmem:s10+$0xFFFFFFE0] =	vst v3  }
0x101: {  	[tilespmem:s10+$0xFFFFFFF0] =	vst v2  }
0x102: {  	[tilespmem:s10+$0xFFFFFF90] =	vst v4  }
0x103: {  	s10 =	rddreg [dreg:$0xa]  }
0x104: {  	s10 =	sadd.s32 s7, s10  }
0x105: {  	[hbm4b:s10+s6] =	stream.linear.scatter [tilespmem:s18], [sflag:$0x4], $0x80, $0x38;
	[tilespmem:$0x1A780] =	vst v63  }
0x106: {  	s11 =	sadd.s32 $0x80, s10  }
0x107: {  	[hbm4b:s11+s6] =	stream.linear.scatter [tilespmem:s19], [sflag:$0x4], $0x80, $0x38;
	[tilespmem:$0x1A780] =	vst v63  }
0x108: {  	s13 =	sadd.s32 $0x100, s10  }
0x109: {  	[hbm4b:s13+s6] =	stream.linear.scatter [tilespmem:s20], [sflag:$0x4], $0x80, $0x38;
	[tilespmem:$0x1A780] =	vst v63  }
0x10a: {  	s13 =	sadd.s32 $0x180, s10  }
0x10b: {  	[hbm4b:s13+s6] =	stream.linear.scatter [tilespmem:s21], [sflag:$0x4], $0x80, $0x38;
	[tilespmem:$0x1A780] =	vst v63  }
0x10c: {  	s13 =	sadd.s32 $0x200, s10  }
0x10d: {  	[hbm4b:s13+s6] =	stream.linear.scatter [tilespmem:s22], [sflag:$0x4], $0x80, $0x38;
	[tilespmem:$0x1A780] =	vst v63  }
0x10e: {  	s13 =	sadd.s32 $0x280, s10  }
0x10f: {  	[hbm4b:s13+s6] =	stream.linear.scatter [tilespmem:s23], [sflag:$0x4], $0x80, $0x38;
	[tilespmem:$0x1A780] =	vst v63  }
0x110: {  	s13 =	sadd.s32 $0x300, s10  }
0x111: {  	[hbm4b:s13+s6] =	stream.linear.scatter [tilespmem:s29], [sflag:$0x4], $0x80, $0x38;
	[tilespmem:$0x1A780] =	vst v63  }
0x112: {  	s13 =	sadd.s32 $0x380, s10  }
0x113: {  	[hbm4b:s13+s6] =	stream.linear.scatter [tilespmem:s30], [sflag:$0x4], $0x80, $0x38;
	[tilespmem:$0x1A780] =	vst v63  }
0x114: {  	s13 =	sadd.s32 $0x400, s10  }
0x115: {  	[hbm4b:s13+s6] =	stream.linear.scatter [tilespmem:s31], [sflag:$0x4], $0x80, $0x38;
	[tilespmem:$0x1A780] =	vst v63  }
0x116: {  	s13 =	sadd.s32 $0x480, s10  }
0x117: {  	[hbm4b:s13+s6] =	stream.linear.scatter [tilespmem:s0], [sflag:$0x4], $0x80, $0x38;
	[tilespmem:$0x1A780] =	vst v63  }
0x118: {  	s13 =	sadd.s32 $0x500, s10  }
0x119: {  	[hbm4b:s13+s6] =	stream.linear.scatter [tilespmem:s4], [sflag:$0x4], $0x80, $0x38;
	[tilespmem:$0x1A780] =	vst v63  }
0x11a: {  	s13 =	sadd.s32 $0x580, s10  }
0x11b: {  	[hbm4b:s13+s6] =	stream.linear.scatter [tilespmem:s24], [sflag:$0x4], $0x80, $0x38;
	[tilespmem:$0x1A780] =	vst v63  }
0x11c: {  	s13 =	sadd.s32 $0x600, s10  }
0x11d: {  	[hbm4b:s13+s6] =	stream.linear.scatter [tilespmem:s1], [sflag:$0x4], $0x80, $0x38;
	[tilespmem:$0x1A780] =	vst v63  }
0x11e: {  	s13 =	sadd.s32 $0x680, s10  }
0x11f: {  	[hbm4b:s13+s6] =	stream.linear.scatter [tilespmem:s3], [sflag:$0x4], $0x80, $0x38;
	[tilespmem:$0x1A780] =	vst v63  }
0x120: {  	s13 =	sadd.s32 $0x700, s10  }
0x121: {  	[hbm4b:s13+s6] =	stream.linear.scatter [tilespmem:s2], [sflag:$0x4], $0x80, $0x38;
	[tilespmem:$0x1A780] =	vst v63  }
0x122: {  	s10 =	sadd.s32 $0x780, s10  }
0x123: {  	[hbm4b:s10+s6] =	stream.linear.scatter [tilespmem:s5], [sflag:$0x4], $0x80, $0x38;
	[tilespmem:$0x1A780] =	vst v63  }
0x124: {  	_ =	swait.ge [sflag:s12], $0x800  }
0x125: {  	[sflag:s12] =	ssyncset.done $0x0;
	s11 =	rddreg [dreg:$0xb]  }
0x126: {  	s13 =	simm.s32 $0x18780;
	[sflag:s12] =	ssyncadd.s32 $0xFFFFF800;
	s10 =	sadd.s32 s9, s11  }
0x127: {  	[tilespmem:s13], [sflag:$0x2] =	stream.linear.gather [hbm4b:s10+s6], $0x80, $0x38;
	[tilespmem:$0x1A780] =	vst v63  }
0x128: {  	s11 =	sadd.s32 $0x80, s10;
	s13 =	simm.s32 $0x18880  }
0x129: {  	[tilespmem:s13], [sflag:$0x2] =	stream.linear.gather [hbm4b:s11+s6], $0x80, $0x38;
	[tilespmem:$0x1A780] =	vst v63  }
0x12a: {  	s11 =	sadd.s32 $0x100, s10;
	s13 =	simm.s32 $0x18980  }
0x12b: {  	[tilespmem:s13], [sflag:$0x2] =	stream.linear.gather [hbm4b:s11+s6], $0x80, $0x38;
	[tilespmem:$0x1A780] =	vst v63  }
0x12c: {  	s11 =	sadd.s32 $0x180, s10;
	s13 =	simm.s32 $0x18A80  }
0x12d: {  	[tilespmem:s13], [sflag:$0x2] =	stream.linear.gather [hbm4b:s11+s6], $0x80, $0x38;
	[tilespmem:$0x1A780] =	vst v63  }
0x12e: {  	s11 =	sadd.s32 $0x200, s10;
	s13 =	simm.s32 $0x18B80  }
0x12f: {  	[tilespmem:s13], [sflag:$0x2] =	stream.linear.gather [hbm4b:s11+s6], $0x80, $0x38;
	[tilespmem:$0x1A780] =	vst v63  }
0x130: {  	s11 =	sadd.s32 $0x280, s10;
	s13 =	simm.s32 $0x18C80  }
0x131: {  	[tilespmem:s13], [sflag:$0x2] =	stream.linear.gather [hbm4b:s11+s6], $0x80, $0x38;
	[tilespmem:$0x1A780] =	vst v63  }
0x132: {  	s11 =	sadd.s32 $0x300, s10;
	s13 =	simm.s32 $0x18D80  }
0x133: {  	[tilespmem:s13], [sflag:$0x2] =	stream.linear.gather [hbm4b:s11+s6], $0x80, $0x38;
	[tilespmem:$0x1A780] =	vst v63  }
0x134: {  	s11 =	sadd.s32 $0x380, s10;
	s13 =	simm.s32 $0x18E80  }
0x135: {  	[tilespmem:s13], [sflag:$0x2] =	stream.linear.gather [hbm4b:s11+s6], $0x80, $0x38;
	[tilespmem:$0x1A780] =	vst v63  }
0x136: {  	s11 =	sadd.s32 $0x400, s10;
	s13 =	simm.s32 $0x18F80  }
0x137: {  	[tilespmem:s13], [sflag:$0x2] =	stream.linear.gather [hbm4b:s11+s6], $0x80, $0x38;
	[tilespmem:$0x1A780] =	vst v63  }
0x138: {  	s11 =	sadd.s32 $0x480, s10;
	s13 =	simm.s32 $0x19080  }
0x139: {  	[tilespmem:s13], [sflag:$0x2] =	stream.linear.gather [hbm4b:s11+s6], $0x80, $0x38;
	[tilespmem:$0x1A780] =	vst v63  }
0x13a: {  	s11 =	sadd.s32 $0x500, s10;
	s13 =	simm.s32 $0x19180  }
0x13b: {  	[tilespmem:s13], [sflag:$0x2] =	stream.linear.gather [hbm4b:s11+s6], $0x80, $0x38;
	[tilespmem:$0x1A780] =	vst v63  }
0x13c: {  	s11 =	sadd.s32 $0x580, s10;
	s13 =	simm.s32 $0x19280  }
0x13d: {  	[tilespmem:s13], [sflag:$0x2] =	stream.linear.gather [hbm4b:s11+s6], $0x80, $0x38;
	[tilespmem:$0x1A780] =	vst v63  }
0x13e: {  	s11 =	sadd.s32 $0x600, s10;
	s13 =	simm.s32 $0x19380  }
0x13f: {  	[tilespmem:s13], [sflag:$0x2] =	stream.linear.gather [hbm4b:s11+s6], $0x80, $0x38;
	[tilespmem:$0x1A780] =	vst v63  }
0x140: {  	s11 =	sadd.s32 $0x680, s10;
	s13 =	simm.s32 $0x19480  }
0x141: {  	[tilespmem:s13], [sflag:$0x2] =	stream.linear.gather [hbm4b:s11+s6], $0x80, $0x38;
	[tilespmem:$0x1A780] =	vst v63  }
0x142: {  	s11 =	sadd.s32 $0x700, s10;
	s13 =	simm.s32 $0x19580  }
0x143: {  	[tilespmem:s13], [sflag:$0x2] =	stream.linear.gather [hbm4b:s11+s6], $0x80, $0x38;
	[tilespmem:$0x1A780] =	vst v63  }
0x144: {  	s10 =	sadd.s32 $0x780, s10;
	s13 =	simm.s32 $0x19680  }
0x145: {  	[tilespmem:s13], [sflag:$0x2] =	stream.linear.gather [hbm4b:s10+s6], $0x80, $0x38;
	[tilespmem:$0x1A780] =	vst v63  }
0x146: {  	_ =	swait.ge [sflag:s25], $0x800  }
0x147: {  	[sflag:s25] =	ssyncset.done $0x0  }
0x148: {  	s13 =	simm.s32 $0x18740;
	[sflag:s25] =	ssyncadd.s32 $0xFFFFF800  }
0x149: {  	v2 =	vld [tilespmem:s13+$0x30]  }
0x14a: {  	v3 =	vld [tilespmem:s13+$0xFFFFFFD0]  }
0x14b: {  	v4 =	vld [tilespmem:s13+$0xFFFFFFE0]  }
0x14c: {  	v5 =	vld [tilespmem:s13+$0xFFFFFFF0]  }
0x14d: {  	v8 =	vld [tilespmem:s13+$0x0]  }
0x14e: {  	v9 =	vld [tilespmem:s13+$0x10]  }
0x14f: {  	v10 =	vld [tilespmem:s13+$0x20]  }
0x150: {  	v11 =	vld [tilespmem:s13+$0xFFFFFFC0]  }
0x151: {  	v12 =	vld.idx.msk [tilespmem:v2+s6+$0x0], $0xffff  }
0x152: {  	v13 =	vld.idx.msk [tilespmem:v3+s6+$0x0], $0xffff  }
0x153: {  	v7 =	vld.idx.msk [tilespmem:v4+s6+$0x0], $0xffff  }
0x154: {  	v6 =	vld.idx.msk [tilespmem:v5+s6+$0x0], $0xffff  }
0x155: {  	v5 =	vld.idx.msk [tilespmem:v8+s6+$0x0], $0xffff  }
0x156: {  	v3 =	vld.idx.msk [tilespmem:v9+s6+$0x0], $0xffff  }
0x157: {  	v2 =	vld.idx.msk [tilespmem:v10+s6+$0x0], $0xffff;
	v8 =	vadd.f32 v12, v1  }
0x158: {  	s11 =	simm.s32 $0x0;
	s10 =	simm.s32 $0x19740;
	s13 =	simm.s32 $0x18840;
	v4 =	vld.idx.msk [tilespmem:v11+s6+$0x0], $0xffff;
	v9 =	vadd.f32 v13, v1  }
.LBB2_7:
0x159: {  	v10 =	vld [tilespmem:s13+$0x30];
	s11 =	sadd.s32 $0x8, s11;
	v7 =	vadd.f32 v7, v1;
	[tilespmem:s10+$0x30] =	vst v8  }
0x15a: {  	v6 =	vadd.f32 v6, v1;
	v8 =	vld [tilespmem:s13+$0xFFFFFFD0];
	p0 =	slt.u32 s11, $0x78;
	[tilespmem:s10+$0xFFFFFFD0] =	vst v9  }
0x15b: {  	v5 =	vadd.f32 v5, v1;
	v9 =	vld [tilespmem:s13+$0xFFFFFFE0];
	[tilespmem:s10+$0xFFFFFFE0] =	vst v7  }
0x15c: {  	v3 =	vadd.f32 v3, v1;
	v11 =	vld [tilespmem:s13+$0xFFFFFFF0];
	[tilespmem:s10+$0xFFFFFFF0] =	vst v6  }
0x15d: {  	v2 =	vadd.f32 v2, v1;
	v12 =	vld [tilespmem:s13+$0x0];
	[tilespmem:s10+$0x0] =	vst v5  }
0x15e: {  	v4 =	vadd.f32 v4, v1;
	v13 =	vld [tilespmem:s13+$0x10];
	[tilespmem:s10+$0x10] =	vst v3  }
0x15f: {  	v14 =	vld [tilespmem:s13+$0x20];
	[tilespmem:s10+$0x20] =	vst v2  }
0x160: {  	v15 =	vld [tilespmem:s13+$0xFFFFFFC0];
	[tilespmem:s10+$0xFFFFFFC0] =	vst v4  }
0x161: {  	v4 =	vld.idx.msk [tilespmem:v10+s6+$0x0], $0xffff  }
0x162: {  	v10 =	vld.idx.msk [tilespmem:v8+s6+$0x0], $0xffff  }
0x163: {  	v7 =	vld.idx.msk [tilespmem:v9+s6+$0x0], $0xffff  }
.Ltmp2:
0x164: {  	v6 =	vld.idx.msk [tilespmem:v11+s6+$0x0], $0xffff;
	(pc) =	sbr.rel @p0 .LBB2_7-.Ltmp2, $4  }
0x165: {  	v5 =	vld.idx.msk [tilespmem:v12+s6+$0x0], $0xffff  }
0x166: {  	v3 =	vld.idx.msk [tilespmem:v13+s6+$0x0], $0xffff  }
0x167: {  	v8 =	vadd.f32 v4, v1;
	v2 =	vld.idx.msk [tilespmem:v14+s6+$0x0], $0xffff  }
0x168: {  	s13 =	sadd.s32 $0x100, s13;
	s10 =	sadd.s32 $0x100, s10;
	v9 =	vadd.f32 v10, v1;
	v4 =	vld.idx.msk [tilespmem:v15+s6+$0x0], $0xffff  }
0x169: {  	v7 =	vadd.f32 v7, v1;
	[tilespmem:s10+$0x30] =	vst v8  }
0x16a: {  	v6 =	vadd.f32 v6, v1;
	[tilespmem:s10+$0xFFFFFFD0] =	vst v9  }
0x16b: {  	v5 =	vadd.f32 v5, v1;
	[tilespmem:s10+$0xFFFFFFE0] =	vst v7  }
0x16c: {  	[tilespmem:s10+$0xFFFFFFF0] =	vst v6;
	v3 =	vadd.f32 v3, v1  }
0x16d: {  	[tilespmem:s10+$0x0] =	vst v5;
	v2 =	vadd.f32 v2, v1  }
0x16e: {  	v4 =	vadd.f32 v4, v1;
	[tilespmem:s10+$0x10] =	vst v3  }
0x16f: {  	[tilespmem:s10+$0x20] =	vst v2  }
0x170: {  	[tilespmem:s10+$0xFFFFFFC0] =	vst v4  }
0x171: {  	s10 =	rddreg [dreg:$0xc]  }
0x172: {  	s11 =	simm.s32 $0x19700;
	s10 =	sadd.s32 s7, s10  }
0x173: {  	[hbm4b:s10+s6] =	stream.linear.scatter [tilespmem:s11], [sflag:$0x3], $0x80, $0x38;
	[tilespmem:$0x1A780] =	vst v63  }
0x174: {  	s13 =	simm.s32 $0x19800;
	s11 =	sadd.s32 $0x80, s10  }
0x175: {  	[hbm4b:s11+s6] =	stream.linear.scatter [tilespmem:s13], [sflag:$0x3], $0x80, $0x38;
	[tilespmem:$0x1A780] =	vst v63  }
0x176: {  	s11 =	sadd.s32 $0x100, s10;
	s13 =	simm.s32 $0x19900  }
0x177: {  	[hbm4b:s11+s6] =	stream.linear.scatter [tilespmem:s13], [sflag:$0x3], $0x80, $0x38;
	[tilespmem:$0x1A780] =	vst v63  }
0x178: {  	s11 =	sadd.s32 $0x180, s10;
	s13 =	simm.s32 $0x19A00  }
0x179: {  	[hbm4b:s11+s6] =	stream.linear.scatter [tilespmem:s13], [sflag:$0x3], $0x80, $0x38;
	[tilespmem:$0x1A780] =	vst v63  }
0x17a: {  	s11 =	sadd.s32 $0x200, s10;
	s13 =	simm.s32 $0x19B00  }
0x17b: {  	[hbm4b:s11+s6] =	stream.linear.scatter [tilespmem:s13], [sflag:$0x3], $0x80, $0x38;
	[tilespmem:$0x1A780] =	vst v63  }
0x17c: {  	s11 =	sadd.s32 $0x280, s10;
	s13 =	simm.s32 $0x19C00  }
0x17d: {  	[hbm4b:s11+s6] =	stream.linear.scatter [tilespmem:s13], [sflag:$0x3], $0x80, $0x38;
	[tilespmem:$0x1A780] =	vst v63  }
0x17e: {  	s11 =	sadd.s32 $0x300, s10;
	s13 =	simm.s32 $0x19D00  }
0x17f: {  	[hbm4b:s11+s6] =	stream.linear.scatter [tilespmem:s13], [sflag:$0x3], $0x80, $0x38;
	[tilespmem:$0x1A780] =	vst v63  }
0x180: {  	s11 =	sadd.s32 $0x380, s10;
	s13 =	simm.s32 $0x19E00  }
0x181: {  	[hbm4b:s11+s6] =	stream.linear.scatter [tilespmem:s13], [sflag:$0x3], $0x80, $0x38;
	[tilespmem:$0x1A780] =	vst v63  }
0x182: {  	s11 =	sadd.s32 $0x400, s10;
	s13 =	simm.s32 $0x19F00  }
0x183: {  	[hbm4b:s11+s6] =	stream.linear.scatter [tilespmem:s13], [sflag:$0x3], $0x80, $0x38;
	[tilespmem:$0x1A780] =	vst v63  }
0x184: {  	s11 =	sadd.s32 $0x480, s10;
	s13 =	simm.s32 $0x1A000  }
0x185: {  	[hbm4b:s11+s6] =	stream.linear.scatter [tilespmem:s13], [sflag:$0x3], $0x80, $0x38;
	[tilespmem:$0x1A780] =	vst v63  }
0x186: {  	s11 =	sadd.s32 $0x500, s10;
	s13 =	simm.s32 $0x1A100  }
0x187: {  	[hbm4b:s11+s6] =	stream.linear.scatter [tilespmem:s13], [sflag:$0x3], $0x80, $0x38;
	[tilespmem:$0x1A780] =	vst v63  }
0x188: {  	s11 =	sadd.s32 $0x580, s10;
	s13 =	simm.s32 $0x1A200  }
0x189: {  	[hbm4b:s11+s6] =	stream.linear.scatter [tilespmem:s13], [sflag:$0x3], $0x80, $0x38;
	[tilespmem:$0x1A780] =	vst v63  }
0x18a: {  	s11 =	sadd.s32 $0x600, s10;
	s13 =	simm.s32 $0x1A300  }
0x18b: {  	[hbm4b:s11+s6] =	stream.linear.scatter [tilespmem:s13], [sflag:$0x3], $0x80, $0x38;
	[tilespmem:$0x1A780] =	vst v63  }
0x18c: {  	s13 =	sadd.s32 $0x680, s10  }
0x18d: {  	[hbm4b:s13+s6] =	stream.linear.scatter [tilespmem:s14], [sflag:$0x3], $0x80, $0x38;
	[tilespmem:$0x1A780] =	vst v63  }
0x18e: {  	s13 =	sadd.s32 $0x700, s10  }
0x18f: {  	[hbm4b:s13+s6] =	stream.linear.scatter [tilespmem:s15], [sflag:$0x3], $0x80, $0x38;
	[tilespmem:$0x1A780] =	vst v63  }
0x190: {  	s10 =	sadd.s32 $0x780, s10  }
0x191: {  	[hbm4b:s10+s6] =	stream.linear.scatter [tilespmem:s16], [sflag:$0x3], $0x80, $0x38;
	[tilespmem:$0x1A780] =	vst v63  }
0x192: {  	_ =	swait.ge [sflag:s17], $0x800  }
0x193: {  	[sflag:s17] =	ssyncset.done $0x0;
	s11 =	rddreg [dreg:$0xd]  }
0x194: {  	s13 =	simm.s32 $0x18700;
	[sflag:s17] =	ssyncadd.s32 $0xFFFFF800;
	s10 =	sadd.s32 s9, s11  }
0x195: {  	[tilespmem:s13], [sflag:$0x1] =	stream.linear.gather [hbm4b:s10+s6], $0x80, $0x38;
	[tilespmem:$0x1A780] =	vst v63  }
0x196: {  	s11 =	sadd.s32 $0x80, s10;
	s13 =	simm.s32 $0x18800  }
0x197: {  	[tilespmem:s13], [sflag:$0x1] =	stream.linear.gather [hbm4b:s11+s6], $0x80, $0x38;
	[tilespmem:$0x1A780] =	vst v63  }
0x198: {  	s11 =	sadd.s32 $0x100, s10;
	s13 =	simm.s32 $0x18900  }
0x199: {  	[tilespmem:s13], [sflag:$0x1] =	stream.linear.gather [hbm4b:s11+s6], $0x80, $0x38;
	[tilespmem:$0x1A780] =	vst v63  }
0x19a: {  	s11 =	sadd.s32 $0x180, s10;
	s13 =	simm.s32 $0x18A00  }
0x19b: {  	[tilespmem:s13], [sflag:$0x1] =	stream.linear.gather [hbm4b:s11+s6], $0x80, $0x38;
	[tilespmem:$0x1A780] =	vst v63  }
0x19c: {  	s11 =	sadd.s32 $0x200, s10;
	s13 =	simm.s32 $0x18B00  }
0x19d: {  	[tilespmem:s13], [sflag:$0x1] =	stream.linear.gather [hbm4b:s11+s6], $0x80, $0x38;
	[tilespmem:$0x1A780] =	vst v63  }
0x19e: {  	s11 =	sadd.s32 $0x280, s10;
	s13 =	simm.s32 $0x18C00  }
0x19f: {  	[tilespmem:s13], [sflag:$0x1] =	stream.linear.gather [hbm4b:s11+s6], $0x80, $0x38;
	[tilespmem:$0x1A780] =	vst v63  }
0x1a0: {  	s11 =	sadd.s32 $0x300, s10;
	s13 =	simm.s32 $0x18D00  }
0x1a1: {  	[tilespmem:s13], [sflag:$0x1] =	stream.linear.gather [hbm4b:s11+s6], $0x80, $0x38;
	[tilespmem:$0x1A780] =	vst v63  }
0x1a2: {  	s11 =	sadd.s32 $0x380, s10;
	s13 =	simm.s32 $0x18E00  }
0x1a3: {  	[tilespmem:s13], [sflag:$0x1] =	stream.linear.gather [hbm4b:s11+s6], $0x80, $0x38;
	[tilespmem:$0x1A780] =	vst v63  }
0x1a4: {  	s11 =	sadd.s32 $0x400, s10;
	s13 =	simm.s32 $0x18F00  }
0x1a5: {  	[tilespmem:s13], [sflag:$0x1] =	stream.linear.gather [hbm4b:s11+s6], $0x80, $0x38;
	[tilespmem:$0x1A780] =	vst v63  }
0x1a6: {  	s11 =	sadd.s32 $0x480, s10;
	s13 =	simm.s32 $0x19000  }
0x1a7: {  	[tilespmem:s13], [sflag:$0x1] =	stream.linear.gather [hbm4b:s11+s6], $0x80, $0x38;
	[tilespmem:$0x1A780] =	vst v63  }
0x1a8: {  	s11 =	sadd.s32 $0x500, s10;
	s13 =	simm.s32 $0x19100  }
0x1a9: {  	[tilespmem:s13], [sflag:$0x1] =	stream.linear.gather [hbm4b:s11+s6], $0x80, $0x38;
	[tilespmem:$0x1A780] =	vst v63  }
0x1aa: {  	s11 =	sadd.s32 $0x580, s10;
	s13 =	simm.s32 $0x19200  }
0x1ab: {  	[tilespmem:s13], [sflag:$0x1] =	stream.linear.gather [hbm4b:s11+s6], $0x80, $0x38;
	[tilespmem:$0x1A780] =	vst v63  }
0x1ac: {  	s11 =	sadd.s32 $0x600, s10;
	s13 =	simm.s32 $0x19300  }
0x1ad: {  	[tilespmem:s13], [sflag:$0x1] =	stream.linear.gather [hbm4b:s11+s6], $0x80, $0x38;
	[tilespmem:$0x1A780] =	vst v63  }
0x1ae: {  	s11 =	sadd.s32 $0x680, s10;
	s13 =	simm.s32 $0x19400  }
0x1af: {  	[tilespmem:s13], [sflag:$0x1] =	stream.linear.gather [hbm4b:s11+s6], $0x80, $0x38;
	[tilespmem:$0x1A780] =	vst v63  }
0x1b0: {  	s11 =	sadd.s32 $0x700, s10;
	s13 =	simm.s32 $0x19500  }
0x1b1: {  	[tilespmem:s13], [sflag:$0x1] =	stream.linear.gather [hbm4b:s11+s6], $0x80, $0x38;
	[tilespmem:$0x1A780] =	vst v63  }
0x1b2: {  	s10 =	sadd.s32 $0x780, s10;
	s13 =	simm.s32 $0x19600  }
0x1b3: {  	[tilespmem:s13], [sflag:$0x1] =	stream.linear.gather [hbm4b:s10+s6], $0x80, $0x38;
	[tilespmem:$0x1A780] =	vst v63  }
0x1b4: {  	_ =	swait.ge [sflag:s26], $0x800  }
0x1b5: {  	[sflag:s26] =	ssyncset.done $0x0  }
0x1b6: {  	s13 =	simm.s32 $0x187F0;
	[sflag:s26] =	ssyncadd.s32 $0xFFFFF800  }
0x1b7: {  	v2 =	vld [tilespmem:s13+$0x0]  }
0x1b8: {  	v3 =	vld [tilespmem:s13+$0xFFFFFFA0]  }
0x1b9: {  	v4 =	vld [tilespmem:s13+$0xFFFFFFB0]  }
0x1ba: {  	v5 =	vld [tilespmem:s13+$0xFFFFFFC0]  }
0x1bb: {  	v8 =	vld [tilespmem:s13+$0xFFFFFFD0]  }
0x1bc: {  	v9 =	vld [tilespmem:s13+$0xFFFFFFE0]  }
0x1bd: {  	v10 =	vld [tilespmem:s13+$0xFFFFFFF0]  }
0x1be: {  	v11 =	vld [tilespmem:s13+$0xFFFFFF90]  }
0x1bf: {  	v12 =	vld.idx.msk [tilespmem:v2+s6+$0x0], $0xffff  }
0x1c0: {  	v13 =	vld.idx.msk [tilespmem:v3+s6+$0x0], $0xffff  }
0x1c1: {  	v7 =	vld.idx.msk [tilespmem:v4+s6+$0x0], $0xffff  }
0x1c2: {  	v6 =	vld.idx.msk [tilespmem:v5+s6+$0x0], $0xffff  }
0x1c3: {  	v5 =	vld.idx.msk [tilespmem:v8+s6+$0x0], $0xffff  }
0x1c4: {  	v3 =	vld.idx.msk [tilespmem:v9+s6+$0x0], $0xffff  }
0x1c5: {  	v2 =	vld.idx.msk [tilespmem:v10+s6+$0x0], $0xffff;
	v8 =	vadd.f32 v12, v1  }
0x1c6: {  	s11 =	simm.s32 $0x0;
	s10 =	simm.s32 $0x197F0;
	s13 =	simm.s32 $0x188F0;
	v4 =	vld.idx.msk [tilespmem:v11+s6+$0x0], $0xffff;
	v9 =	vadd.f32 v13, v1  }
.LBB2_9:
0x1c7: {  	v10 =	vld [tilespmem:s13+$0x0];
	s11 =	sadd.s32 $0x8, s11;
	v7 =	vadd.f32 v7, v1;
	[tilespmem:s10+$0x0] =	vst v8  }
0x1c8: {  	v6 =	vadd.f32 v6, v1;
	v8 =	vld [tilespmem:s13+$0xFFFFFFA0];
	p0 =	slt.u32 s11, $0x78;
	[tilespmem:s10+$0xFFFFFFA0] =	vst v9  }
0x1c9: {  	v5 =	vadd.f32 v5, v1;
	v9 =	vld [tilespmem:s13+$0xFFFFFFB0];
	[tilespmem:s10+$0xFFFFFFB0] =	vst v7  }
0x1ca: {  	v3 =	vadd.f32 v3, v1;
	v11 =	vld [tilespmem:s13+$0xFFFFFFC0];
	[tilespmem:s10+$0xFFFFFFC0] =	vst v6  }
0x1cb: {  	v2 =	vadd.f32 v2, v1;
	v12 =	vld [tilespmem:s13+$0xFFFFFFD0];
	[tilespmem:s10+$0xFFFFFFD0] =	vst v5  }
0x1cc: {  	v4 =	vadd.f32 v4, v1;
	v13 =	vld [tilespmem:s13+$0xFFFFFFE0];
	[tilespmem:s10+$0xFFFFFFE0] =	vst v3  }
0x1cd: {  	v14 =	vld [tilespmem:s13+$0xFFFFFFF0];
	[tilespmem:s10+$0xFFFFFFF0] =	vst v2  }
0x1ce: {  	v15 =	vld [tilespmem:s13+$0xFFFFFF90];
	[tilespmem:s10+$0xFFFFFF90] =	vst v4  }
0x1cf: {  	v4 =	vld.idx.msk [tilespmem:v10+s6+$0x0], $0xffff  }
0x1d0: {  	v10 =	vld.idx.msk [tilespmem:v8+s6+$0x0], $0xffff  }
0x1d1: {  	v7 =	vld.idx.msk [tilespmem:v9+s6+$0x0], $0xffff  }
.Ltmp3:
0x1d2: {  	v6 =	vld.idx.msk [tilespmem:v11+s6+$0x0], $0xffff;
	(pc) =	sbr.rel @p0 .LBB2_9-.Ltmp3, $4  }
0x1d3: {  	v5 =	vld.idx.msk [tilespmem:v12+s6+$0x0], $0xffff  }
0x1d4: {  	v3 =	vld.idx.msk [tilespmem:v13+s6+$0x0], $0xffff  }
0x1d5: {  	v8 =	vadd.f32 v4, v1;
	v2 =	vld.idx.msk [tilespmem:v14+s6+$0x0], $0xffff  }
0x1d6: {  	s13 =	sadd.s32 $0x100, s13;
	s10 =	sadd.s32 $0x100, s10;
	v9 =	vadd.f32 v10, v1;
	v4 =	vld.idx.msk [tilespmem:v15+s6+$0x0], $0xffff  }
0x1d7: {  	v7 =	vadd.f32 v7, v1;
	[tilespmem:s10+$0x0] =	vst v8  }
0x1d8: {  	v6 =	vadd.f32 v6, v1;
	[tilespmem:s10+$0xFFFFFFA0] =	vst v9  }
0x1d9: {  	v5 =	vadd.f32 v5, v1;
	[tilespmem:s10+$0xFFFFFFB0] =	vst v7  }
0x1da: {  	[tilespmem:s10+$0xFFFFFFC0] =	vst v6;
	v3 =	vadd.f32 v3, v1  }
0x1db: {  	[tilespmem:s10+$0xFFFFFFD0] =	vst v5;
	v2 =	vadd.f32 v2, v1  }
0x1dc: {  	v4 =	vadd.f32 v4, v1;
	[tilespmem:s10+$0xFFFFFFE0] =	vst v3  }
0x1dd: {  	[tilespmem:s10+$0xFFFFFFF0] =	vst v2  }
0x1de: {  	[tilespmem:s10+$0xFFFFFF90] =	vst v4  }
0x1df: {  	s10 =	rddreg [dreg:$0xe]  }
0x1e0: {  	s10 =	sadd.s32 s7, s10  }
0x1e1: {  	[hbm4b:s10+s6] =	stream.linear.scatter [tilespmem:s18], [sflag:$0x4], $0x80, $0x38;
	[tilespmem:$0x1A780] =	vst v63  }
0x1e2: {  	s11 =	sadd.s32 $0x80, s10  }
0x1e3: {  	[hbm4b:s11+s6] =	stream.linear.scatter [tilespmem:s19], [sflag:$0x4], $0x80, $0x38;
	[tilespmem:$0x1A780] =	vst v63  }
0x1e4: {  	s13 =	sadd.s32 $0x100, s10  }
0x1e5: {  	[hbm4b:s13+s6] =	stream.linear.scatter [tilespmem:s20], [sflag:$0x4], $0x80, $0x38;
	[tilespmem:$0x1A780] =	vst v63  }
0x1e6: {  	s13 =	sadd.s32 $0x180, s10  }
0x1e7: {  	[hbm4b:s13+s6] =	stream.linear.scatter [tilespmem:s21], [sflag:$0x4], $0x80, $0x38;
	[tilespmem:$0x1A780] =	vst v63  }
0x1e8: {  	s13 =	sadd.s32 $0x200, s10  }
0x1e9: {  	[hbm4b:s13+s6] =	stream.linear.scatter [tilespmem:s22], [sflag:$0x4], $0x80, $0x38;
	[tilespmem:$0x1A780] =	vst v63  }
0x1ea: {  	s13 =	sadd.s32 $0x280, s10  }
0x1eb: {  	[hbm4b:s13+s6] =	stream.linear.scatter [tilespmem:s23], [sflag:$0x4], $0x80, $0x38;
	[tilespmem:$0x1A780] =	vst v63  }
0x1ec: {  	s13 =	sadd.s32 $0x300, s10  }
0x1ed: {  	[hbm4b:s13+s6] =	stream.linear.scatter [tilespmem:s29], [sflag:$0x4], $0x80, $0x38;
	[tilespmem:$0x1A780] =	vst v63  }
0x1ee: {  	s13 =	sadd.s32 $0x380, s10  }
0x1ef: {  	[hbm4b:s13+s6] =	stream.linear.scatter [tilespmem:s30], [sflag:$0x4], $0x80, $0x38;
	[tilespmem:$0x1A780] =	vst v63  }
0x1f0: {  	s13 =	sadd.s32 $0x400, s10  }
0x1f1: {  	[hbm4b:s13+s6] =	stream.linear.scatter [tilespmem:s31], [sflag:$0x4], $0x80, $0x38;
	[tilespmem:$0x1A780] =	vst v63  }
0x1f2: {  	s13 =	sadd.s32 $0x480, s10  }
0x1f3: {  	[hbm4b:s13+s6] =	stream.linear.scatter [tilespmem:s0], [sflag:$0x4], $0x80, $0x38;
	[tilespmem:$0x1A780] =	vst v63  }
0x1f4: {  	s13 =	sadd.s32 $0x500, s10  }
0x1f5: {  	[hbm4b:s13+s6] =	stream.linear.scatter [tilespmem:s4], [sflag:$0x4], $0x80, $0x38;
	[tilespmem:$0x1A780] =	vst v63  }
0x1f6: {  	s13 =	sadd.s32 $0x580, s10  }
0x1f7: {  	[hbm4b:s13+s6] =	stream.linear.scatter [tilespmem:s24], [sflag:$0x4], $0x80, $0x38;
	[tilespmem:$0x1A780] =	vst v63  }
0x1f8: {  	s13 =	sadd.s32 $0x600, s10  }
0x1f9: {  	[hbm4b:s13+s6] =	stream.linear.scatter [tilespmem:s1], [sflag:$0x4], $0x80, $0x38;
	[tilespmem:$0x1A780] =	vst v63  }
0x1fa: {  	s13 =	sadd.s32 $0x680, s10  }
0x1fb: {  	[hbm4b:s13+s6] =	stream.linear.scatter [tilespmem:s3], [sflag:$0x4], $0x80, $0x38;
	[tilespmem:$0x1A780] =	vst v63  }
0x1fc: {  	s13 =	sadd.s32 $0x700, s10  }
0x1fd: {  	[hbm4b:s13+s6] =	stream.linear.scatter [tilespmem:s2], [sflag:$0x4], $0x80, $0x38;
	[tilespmem:$0x1A780] =	vst v63  }
0x1fe: {  	s10 =	sadd.s32 $0x780, s10  }
0x1ff: {  	[hbm4b:s10+s6] =	stream.linear.scatter [tilespmem:s5], [sflag:$0x4], $0x80, $0x38;
	[tilespmem:$0x1A780] =	vst v63  }
0x200: {  	_ =	swait.ge [sflag:s12], $0x800  }
0x201: {  	[sflag:s12] =	ssyncset.done $0x0;
	s11 =	rddreg [dreg:$0xf]  }
0x202: {  	s13 =	simm.s32 $0x18780;
	[sflag:s12] =	ssyncadd.s32 $0xFFFFF800;
	s10 =	sadd.s32 s9, s11  }
0x203: {  	[tilespmem:s13], [sflag:$0x2] =	stream.linear.gather [hbm4b:s10+s6], $0x80, $0x38;
	[tilespmem:$0x1A780] =	vst v63  }
0x204: {  	s11 =	sadd.s32 $0x80, s10;
	s13 =	simm.s32 $0x18880  }
0x205: {  	[tilespmem:s13], [sflag:$0x2] =	stream.linear.gather [hbm4b:s11+s6], $0x80, $0x38;
	[tilespmem:$0x1A780] =	vst v63  }
0x206: {  	s11 =	sadd.s32 $0x100, s10;
	s13 =	simm.s32 $0x18980  }
0x207: {  	[tilespmem:s13], [sflag:$0x2] =	stream.linear.gather [hbm4b:s11+s6], $0x80, $0x38;
	[tilespmem:$0x1A780] =	vst v63  }
0x208: {  	s11 =	sadd.s32 $0x180, s10;
	s13 =	simm.s32 $0x18A80  }
0x209: {  	[tilespmem:s13], [sflag:$0x2] =	stream.linear.gather [hbm4b:s11+s6], $0x80, $0x38;
	[tilespmem:$0x1A780] =	vst v63  }
0x20a: {  	s11 =	sadd.s32 $0x200, s10;
	s13 =	simm.s32 $0x18B80  }
0x20b: {  	[tilespmem:s13], [sflag:$0x2] =	stream.linear.gather [hbm4b:s11+s6], $0x80, $0x38;
	[tilespmem:$0x1A780] =	vst v63  }
0x20c: {  	s11 =	sadd.s32 $0x280, s10;
	s13 =	simm.s32 $0x18C80  }
0x20d: {  	[tilespmem:s13], [sflag:$0x2] =	stream.linear.gather [hbm4b:s11+s6], $0x80, $0x38;
	[tilespmem:$0x1A780] =	vst v63  }
0x20e: {  	s11 =	sadd.s32 $0x300, s10;
	s13 =	simm.s32 $0x18D80  }
0x20f: {  	[tilespmem:s13], [sflag:$0x2] =	stream.linear.gather [hbm4b:s11+s6], $0x80, $0x38;
	[tilespmem:$0x1A780] =	vst v63  }
0x210: {  	s11 =	sadd.s32 $0x380, s10;
	s13 =	simm.s32 $0x18E80  }
0x211: {  	[tilespmem:s13], [sflag:$0x2] =	stream.linear.gather [hbm4b:s11+s6], $0x80, $0x38;
	[tilespmem:$0x1A780] =	vst v63  }
0x212: {  	s11 =	sadd.s32 $0x400, s10;
	s13 =	simm.s32 $0x18F80  }
0x213: {  	[tilespmem:s13], [sflag:$0x2] =	stream.linear.gather [hbm4b:s11+s6], $0x80, $0x38;
	[tilespmem:$0x1A780] =	vst v63  }
0x214: {  	s11 =	sadd.s32 $0x480, s10;
	s13 =	simm.s32 $0x19080  }
0x215: {  	[tilespmem:s13], [sflag:$0x2] =	stream.linear.gather [hbm4b:s11+s6], $0x80, $0x38;
	[tilespmem:$0x1A780] =	vst v63  }
0x216: {  	s11 =	sadd.s32 $0x500, s10;
	s13 =	simm.s32 $0x19180  }
0x217: {  	[tilespmem:s13], [sflag:$0x2] =	stream.linear.gather [hbm4b:s11+s6], $0x80, $0x38;
	[tilespmem:$0x1A780] =	vst v63  }
0x218: {  	s11 =	sadd.s32 $0x580, s10;
	s13 =	simm.s32 $0x19280  }
0x219: {  	[tilespmem:s13], [sflag:$0x2] =	stream.linear.gather [hbm4b:s11+s6], $0x80, $0x38;
	[tilespmem:$0x1A780] =	vst v63  }
0x21a: {  	s11 =	sadd.s32 $0x600, s10;
	s13 =	simm.s32 $0x19380  }
0x21b: {  	[tilespmem:s13], [sflag:$0x2] =	stream.linear.gather [hbm4b:s11+s6], $0x80, $0x38;
	[tilespmem:$0x1A780] =	vst v63  }
0x21c: {  	s11 =	sadd.s32 $0x680, s10;
	s13 =	simm.s32 $0x19480  }
0x21d: {  	[tilespmem:s13], [sflag:$0x2] =	stream.linear.gather [hbm4b:s11+s6], $0x80, $0x38;
	[tilespmem:$0x1A780] =	vst v63  }
0x21e: {  	s11 =	sadd.s32 $0x700, s10;
	s13 =	simm.s32 $0x19580  }
0x21f: {  	[tilespmem:s13], [sflag:$0x2] =	stream.linear.gather [hbm4b:s11+s6], $0x80, $0x38;
	[tilespmem:$0x1A780] =	vst v63  }
0x220: {  	s10 =	sadd.s32 $0x780, s10;
	s13 =	simm.s32 $0x19680  }
0x221: {  	[tilespmem:s13], [sflag:$0x2] =	stream.linear.gather [hbm4b:s10+s6], $0x80, $0x38;
	[tilespmem:$0x1A780] =	vst v63  }
0x222: {  	_ =	swait.ge [sflag:s25], $0x800  }
0x223: {  	[sflag:s25] =	ssyncset.done $0x0  }
0x224: {  	s13 =	simm.s32 $0x18740;
	[sflag:s25] =	ssyncadd.s32 $0xFFFFF800  }
0x225: {  	v2 =	vld [tilespmem:s13+$0x30]  }
0x226: {  	v3 =	vld [tilespmem:s13+$0xFFFFFFD0]  }
0x227: {  	v4 =	vld [tilespmem:s13+$0xFFFFFFE0]  }
0x228: {  	v5 =	vld [tilespmem:s13+$0xFFFFFFF0]  }
0x229: {  	v8 =	vld [tilespmem:s13+$0x0]  }
0x22a: {  	v9 =	vld [tilespmem:s13+$0x10]  }
0x22b: {  	v10 =	vld [tilespmem:s13+$0x20]  }
0x22c: {  	v11 =	vld [tilespmem:s13+$0xFFFFFFC0]  }
0x22d: {  	v12 =	vld.idx.msk [tilespmem:v2+s6+$0x0], $0xffff  }
0x22e: {  	v13 =	vld.idx.msk [tilespmem:v3+s6+$0x0], $0xffff  }
0x22f: {  	v7 =	vld.idx.msk [tilespmem:v4+s6+$0x0], $0xffff  }
0x230: {  	v6 =	vld.idx.msk [tilespmem:v5+s6+$0x0], $0xffff  }
0x231: {  	v5 =	vld.idx.msk [tilespmem:v8+s6+$0x0], $0xffff  }
0x232: {  	v3 =	vld.idx.msk [tilespmem:v9+s6+$0x0], $0xffff  }
0x233: {  	v2 =	vld.idx.msk [tilespmem:v10+s6+$0x0], $0xffff;
	v8 =	vadd.f32 v12, v1  }
0x234: {  	s11 =	simm.s32 $0x0;
	s10 =	simm.s32 $0x19740;
	s13 =	simm.s32 $0x18840;
	v4 =	vld.idx.msk [tilespmem:v11+s6+$0x0], $0xffff;
	v9 =	vadd.f32 v13, v1  }
.LBB2_11:
0x235: {  	v10 =	vld [tilespmem:s13+$0x30];
	s11 =	sadd.s32 $0x8, s11;
	v7 =	vadd.f32 v7, v1;
	[tilespmem:s10+$0x30] =	vst v8  }
0x236: {  	v6 =	vadd.f32 v6, v1;
	v8 =	vld [tilespmem:s13+$0xFFFFFFD0];
	p0 =	slt.u32 s11, $0x78;
	[tilespmem:s10+$0xFFFFFFD0] =	vst v9  }
0x237: {  	v5 =	vadd.f32 v5, v1;
	v9 =	vld [tilespmem:s13+$0xFFFFFFE0];
	[tilespmem:s10+$0xFFFFFFE0] =	vst v7  }
0x238: {  	v3 =	vadd.f32 v3, v1;
	v11 =	vld [tilespmem:s13+$0xFFFFFFF0];
	[tilespmem:s10+$0xFFFFFFF0] =	vst v6  }
0x239: {  	v2 =	vadd.f32 v2, v1;
	v12 =	vld [tilespmem:s13+$0x0];
	[tilespmem:s10+$0x0] =	vst v5  }
0x23a: {  	v4 =	vadd.f32 v4, v1;
	v13 =	vld [tilespmem:s13+$0x10];
	[tilespmem:s10+$0x10] =	vst v3  }
0x23b: {  	v14 =	vld [tilespmem:s13+$0x20];
	[tilespmem:s10+$0x20] =	vst v2  }
0x23c: {  	v15 =	vld [tilespmem:s13+$0xFFFFFFC0];
	[tilespmem:s10+$0xFFFFFFC0] =	vst v4  }
0x23d: {  	v4 =	vld.idx.msk [tilespmem:v10+s6+$0x0], $0xffff  }
0x23e: {  	v10 =	vld.idx.msk [tilespmem:v8+s6+$0x0], $0xffff  }
0x23f: {  	v7 =	vld.idx.msk [tilespmem:v9+s6+$0x0], $0xffff  }
.Ltmp4:
0x240: {  	v6 =	vld.idx.msk [tilespmem:v11+s6+$0x0], $0xffff;
	(pc) =	sbr.rel @p0 .LBB2_11-.Ltmp4, $4  }
0x241: {  	v5 =	vld.idx.msk [tilespmem:v12+s6+$0x0], $0xffff  }
0x242: {  	v3 =	vld.idx.msk [tilespmem:v13+s6+$0x0], $0xffff  }
0x243: {  	v8 =	vadd.f32 v4, v1;
	v2 =	vld.idx.msk [tilespmem:v14+s6+$0x0], $0xffff  }
0x244: {  	s13 =	sadd.s32 $0x100, s13;
	s10 =	sadd.s32 $0x100, s10;
	v9 =	vadd.f32 v10, v1;
	v4 =	vld.idx.msk [tilespmem:v15+s6+$0x0], $0xffff  }
0x245: {  	v7 =	vadd.f32 v7, v1;
	[tilespmem:s10+$0x30] =	vst v8  }
0x246: {  	v6 =	vadd.f32 v6, v1;
	[tilespmem:s10+$0xFFFFFFD0] =	vst v9  }
0x247: {  	v5 =	vadd.f32 v5, v1;
	[tilespmem:s10+$0xFFFFFFE0] =	vst v7  }
0x248: {  	[tilespmem:s10+$0xFFFFFFF0] =	vst v6;
	v3 =	vadd.f32 v3, v1  }
0x249: {  	[tilespmem:s10+$0x0] =	vst v5;
	v2 =	vadd.f32 v2, v1  }
0x24a: {  	v4 =	vadd.f32 v4, v1;
	[tilespmem:s10+$0x10] =	vst v3  }
0x24b: {  	[tilespmem:s10+$0x20] =	vst v2  }
0x24c: {  	[tilespmem:s10+$0xFFFFFFC0] =	vst v4  }
0x24d: {  	s10 =	rddreg [dreg:$0x10]  }
0x24e: {  	s11 =	simm.s32 $0x19700;
	s10 =	sadd.s32 s7, s10  }
0x24f: {  	[hbm4b:s10+s6] =	stream.linear.scatter [tilespmem:s11], [sflag:$0x3], $0x80, $0x38;
	[tilespmem:$0x1A780] =	vst v63  }
0x250: {  	s13 =	simm.s32 $0x19800;
	s11 =	sadd.s32 $0x80, s10  }
0x251: {  	[hbm4b:s11+s6] =	stream.linear.scatter [tilespmem:s13], [sflag:$0x3], $0x80, $0x38;
	[tilespmem:$0x1A780] =	vst v63  }
0x252: {  	s11 =	sadd.s32 $0x100, s10;
	s13 =	simm.s32 $0x19900  }
0x253: {  	[hbm4b:s11+s6] =	stream.linear.scatter [tilespmem:s13], [sflag:$0x3], $0x80, $0x38;
	[tilespmem:$0x1A780] =	vst v63  }
0x254: {  	s11 =	sadd.s32 $0x180, s10;
	s13 =	simm.s32 $0x19A00  }
0x255: {  	[hbm4b:s11+s6] =	stream.linear.scatter [tilespmem:s13], [sflag:$0x3], $0x80, $0x38;
	[tilespmem:$0x1A780] =	vst v63  }
0x256: {  	s11 =	sadd.s32 $0x200, s10;
	s13 =	simm.s32 $0x19B00  }
0x257: {  	[hbm4b:s11+s6] =	stream.linear.scatter [tilespmem:s13], [sflag:$0x3], $0x80, $0x38;
	[tilespmem:$0x1A780] =	vst v63  }
0x258: {  	s11 =	sadd.s32 $0x280, s10;
	s13 =	simm.s32 $0x19C00  }
0x259: {  	[hbm4b:s11+s6] =	stream.linear.scatter [tilespmem:s13], [sflag:$0x3], $0x80, $0x38;
	[tilespmem:$0x1A780] =	vst v63  }
0x25a: {  	s11 =	sadd.s32 $0x300, s10;
	s13 =	simm.s32 $0x19D00  }
0x25b: {  	[hbm4b:s11+s6] =	stream.linear.scatter [tilespmem:s13], [sflag:$0x3], $0x80, $0x38;
	[tilespmem:$0x1A780] =	vst v63  }
0x25c: {  	s11 =	sadd.s32 $0x380, s10;
	s13 =	simm.s32 $0x19E00  }
0x25d: {  	[hbm4b:s11+s6] =	stream.linear.scatter [tilespmem:s13], [sflag:$0x3], $0x80, $0x38;
	[tilespmem:$0x1A780] =	vst v63  }
0x25e: {  	s11 =	sadd.s32 $0x400, s10;
	s13 =	simm.s32 $0x19F00  }
0x25f: {  	[hbm4b:s11+s6] =	stream.linear.scatter [tilespmem:s13], [sflag:$0x3], $0x80, $0x38;
	[tilespmem:$0x1A780] =	vst v63  }
0x260: {  	s11 =	sadd.s32 $0x480, s10;
	s13 =	simm.s32 $0x1A000  }
0x261: {  	[hbm4b:s11+s6] =	stream.linear.scatter [tilespmem:s13], [sflag:$0x3], $0x80, $0x38;
	[tilespmem:$0x1A780] =	vst v63  }
0x262: {  	s11 =	sadd.s32 $0x500, s10;
	s13 =	simm.s32 $0x1A100  }
0x263: {  	[hbm4b:s11+s6] =	stream.linear.scatter [tilespmem:s13], [sflag:$0x3], $0x80, $0x38;
	[tilespmem:$0x1A780] =	vst v63  }
0x264: {  	s11 =	sadd.s32 $0x580, s10;
	s13 =	simm.s32 $0x1A200  }
0x265: {  	[hbm4b:s11+s6] =	stream.linear.scatter [tilespmem:s13], [sflag:$0x3], $0x80, $0x38;
	[tilespmem:$0x1A780] =	vst v63  }
0x266: {  	s11 =	sadd.s32 $0x600, s10;
	s13 =	simm.s32 $0x1A300  }
0x267: {  	[hbm4b:s11+s6] =	stream.linear.scatter [tilespmem:s13], [sflag:$0x3], $0x80, $0x38;
	[tilespmem:$0x1A780] =	vst v63  }
0x268: {  	s13 =	sadd.s32 $0x680, s10  }
0x269: {  	[hbm4b:s13+s6] =	stream.linear.scatter [tilespmem:s14], [sflag:$0x3], $0x80, $0x38;
	[tilespmem:$0x1A780] =	vst v63  }
0x26a: {  	s13 =	sadd.s32 $0x700, s10  }
0x26b: {  	[hbm4b:s13+s6] =	stream.linear.scatter [tilespmem:s15], [sflag:$0x3], $0x80, $0x38;
	[tilespmem:$0x1A780] =	vst v63  }
0x26c: {  	s10 =	sadd.s32 $0x780, s10  }
0x26d: {  	[hbm4b:s10+s6] =	stream.linear.scatter [tilespmem:s16], [sflag:$0x3], $0x80, $0x38;
	[tilespmem:$0x1A780] =	vst v63  }
0x26e: {  	_ =	swait.ge [sflag:s17], $0x800  }
0x26f: {  	[sflag:s17] =	ssyncset.done $0x0;
	s11 =	rddreg [dreg:$0x11]  }
0x270: {  	s13 =	simm.s32 $0x18700;
	[sflag:s17] =	ssyncadd.s32 $0xFFFFF800;
	s10 =	sadd.s32 s9, s11  }
0x271: {  	[tilespmem:s13], [sflag:$0x1] =	stream.linear.gather [hbm4b:s10+s6], $0x80, $0x38;
	[tilespmem:$0x1A780] =	vst v63  }
0x272: {  	s11 =	sadd.s32 $0x80, s10;
	s13 =	simm.s32 $0x18800  }
0x273: {  	[tilespmem:s13], [sflag:$0x1] =	stream.linear.gather [hbm4b:s11+s6], $0x80, $0x38;
	[tilespmem:$0x1A780] =	vst v63  }
0x274: {  	s11 =	sadd.s32 $0x100, s10;
	s13 =	simm.s32 $0x18900  }
0x275: {  	[tilespmem:s13], [sflag:$0x1] =	stream.linear.gather [hbm4b:s11+s6], $0x80, $0x38;
	[tilespmem:$0x1A780] =	vst v63  }
0x276: {  	s11 =	sadd.s32 $0x180, s10;
	s13 =	simm.s32 $0x18A00  }
0x277: {  	[tilespmem:s13], [sflag:$0x1] =	stream.linear.gather [hbm4b:s11+s6], $0x80, $0x38;
	[tilespmem:$0x1A780] =	vst v63  }
0x278: {  	s11 =	sadd.s32 $0x200, s10;
	s13 =	simm.s32 $0x18B00  }
0x279: {  	[tilespmem:s13], [sflag:$0x1] =	stream.linear.gather [hbm4b:s11+s6], $0x80, $0x38;
	[tilespmem:$0x1A780] =	vst v63  }
0x27a: {  	s11 =	sadd.s32 $0x280, s10;
	s13 =	simm.s32 $0x18C00  }
0x27b: {  	[tilespmem:s13], [sflag:$0x1] =	stream.linear.gather [hbm4b:s11+s6], $0x80, $0x38;
	[tilespmem:$0x1A780] =	vst v63  }
0x27c: {  	s11 =	sadd.s32 $0x300, s10;
	s13 =	simm.s32 $0x18D00  }
0x27d: {  	[tilespmem:s13], [sflag:$0x1] =	stream.linear.gather [hbm4b:s11+s6], $0x80, $0x38;
	[tilespmem:$0x1A780] =	vst v63  }
0x27e: {  	s11 =	sadd.s32 $0x380, s10;
	s13 =	simm.s32 $0x18E00  }
0x27f: {  	[tilespmem:s13], [sflag:$0x1] =	stream.linear.gather [hbm4b:s11+s6], $0x80, $0x38;
	[tilespmem:$0x1A780] =	vst v63  }
0x280: {  	s11 =	sadd.s32 $0x400, s10;
	s13 =	simm.s32 $0x18F00  }
0x281: {  	[tilespmem:s13], [sflag:$0x1] =	stream.linear.gather [hbm4b:s11+s6], $0x80, $0x38;
	[tilespmem:$0x1A780] =	vst v63  }
0x282: {  	s11 =	sadd.s32 $0x480, s10;
	s13 =	simm.s32 $0x19000  }
0x283: {  	[tilespmem:s13], [sflag:$0x1] =	stream.linear.gather [hbm4b:s11+s6], $0x80, $0x38;
	[tilespmem:$0x1A780] =	vst v63  }
0x284: {  	s11 =	sadd.s32 $0x500, s10;
	s13 =	simm.s32 $0x19100  }
0x285: {  	[tilespmem:s13], [sflag:$0x1] =	stream.linear.gather [hbm4b:s11+s6], $0x80, $0x38;
	[tilespmem:$0x1A780] =	vst v63  }
0x286: {  	s11 =	sadd.s32 $0x580, s10;
	s13 =	simm.s32 $0x19200  }
0x287: {  	[tilespmem:s13], [sflag:$0x1] =	stream.linear.gather [hbm4b:s11+s6], $0x80, $0x38;
	[tilespmem:$0x1A780] =	vst v63  }
0x288: {  	s11 =	sadd.s32 $0x600, s10;
	s13 =	simm.s32 $0x19300  }
0x289: {  	[tilespmem:s13], [sflag:$0x1] =	stream.linear.gather [hbm4b:s11+s6], $0x80, $0x38;
	[tilespmem:$0x1A780] =	vst v63  }
0x28a: {  	s11 =	sadd.s32 $0x680, s10;
	s13 =	simm.s32 $0x19400  }
0x28b: {  	[tilespmem:s13], [sflag:$0x1] =	stream.linear.gather [hbm4b:s11+s6], $0x80, $0x38;
	[tilespmem:$0x1A780] =	vst v63  }
0x28c: {  	s11 =	sadd.s32 $0x700, s10;
	s13 =	simm.s32 $0x19500  }
0x28d: {  	[tilespmem:s13], [sflag:$0x1] =	stream.linear.gather [hbm4b:s11+s6], $0x80, $0x38;
	[tilespmem:$0x1A780] =	vst v63  }
0x28e: {  	s10 =	sadd.s32 $0x780, s10;
	s13 =	simm.s32 $0x19600  }
0x28f: {  	[tilespmem:s13], [sflag:$0x1] =	stream.linear.gather [hbm4b:s10+s6], $0x80, $0x38;
	[tilespmem:$0x1A780] =	vst v63  }
0x290: {  	_ =	swait.ge [sflag:s26], $0x800  }
0x291: {  	[sflag:s26] =	ssyncset.done $0x0  }
0x292: {  	s13 =	simm.s32 $0x187F0;
	[sflag:s26] =	ssyncadd.s32 $0xFFFFF800  }
0x293: {  	v2 =	vld [tilespmem:s13+$0x0]  }
0x294: {  	v3 =	vld [tilespmem:s13+$0xFFFFFFA0]  }
0x295: {  	v4 =	vld [tilespmem:s13+$0xFFFFFFB0]  }
0x296: {  	v5 =	vld [tilespmem:s13+$0xFFFFFFC0]  }
0x297: {  	v8 =	vld [tilespmem:s13+$0xFFFFFFD0]  }
0x298: {  	v9 =	vld [tilespmem:s13+$0xFFFFFFE0]  }
0x299: {  	v10 =	vld [tilespmem:s13+$0xFFFFFFF0]  }
0x29a: {  	v11 =	vld [tilespmem:s13+$0xFFFFFF90]  }
0x29b: {  	v12 =	vld.idx.msk [tilespmem:v2+s6+$0x0], $0xffff  }
0x29c: {  	v13 =	vld.idx.msk [tilespmem:v3+s6+$0x0], $0xffff  }
0x29d: {  	v7 =	vld.idx.msk [tilespmem:v4+s6+$0x0], $0xffff  }
0x29e: {  	v6 =	vld.idx.msk [tilespmem:v5+s6+$0x0], $0xffff  }
0x29f: {  	v5 =	vld.idx.msk [tilespmem:v8+s6+$0x0], $0xffff  }
0x2a0: {  	v3 =	vld.idx.msk [tilespmem:v9+s6+$0x0], $0xffff  }
0x2a1: {  	v2 =	vld.idx.msk [tilespmem:v10+s6+$0x0], $0xffff;
	v8 =	vadd.f32 v12, v1  }
0x2a2: {  	s11 =	simm.s32 $0x0;
	s10 =	simm.s32 $0x197F0;
	s13 =	simm.s32 $0x188F0;
	v4 =	vld.idx.msk [tilespmem:v11+s6+$0x0], $0xffff;
	v9 =	vadd.f32 v13, v1  }
.LBB2_13:
0x2a3: {  	v10 =	vld [tilespmem:s13+$0x0];
	s11 =	sadd.s32 $0x8, s11;
	v7 =	vadd.f32 v7, v1;
	[tilespmem:s10+$0x0] =	vst v8  }
0x2a4: {  	v6 =	vadd.f32 v6, v1;
	v8 =	vld [tilespmem:s13+$0xFFFFFFA0];
	p0 =	slt.u32 s11, $0x78;
	[tilespmem:s10+$0xFFFFFFA0] =	vst v9  }
0x2a5: {  	v5 =	vadd.f32 v5, v1;
	v9 =	vld [tilespmem:s13+$0xFFFFFFB0];
	[tilespmem:s10+$0xFFFFFFB0] =	vst v7  }
0x2a6: {  	v3 =	vadd.f32 v3, v1;
	v11 =	vld [tilespmem:s13+$0xFFFFFFC0];
	[tilespmem:s10+$0xFFFFFFC0] =	vst v6  }
0x2a7: {  	v2 =	vadd.f32 v2, v1;
	v12 =	vld [tilespmem:s13+$0xFFFFFFD0];
	[tilespmem:s10+$0xFFFFFFD0] =	vst v5  }
0x2a8: {  	v4 =	vadd.f32 v4, v1;
	v13 =	vld [tilespmem:s13+$0xFFFFFFE0];
	[tilespmem:s10+$0xFFFFFFE0] =	vst v3  }
0x2a9: {  	v14 =	vld [tilespmem:s13+$0xFFFFFFF0];
	[tilespmem:s10+$0xFFFFFFF0] =	vst v2  }
0x2aa: {  	v15 =	vld [tilespmem:s13+$0xFFFFFF90];
	[tilespmem:s10+$0xFFFFFF90] =	vst v4  }
0x2ab: {  	v4 =	vld.idx.msk [tilespmem:v10+s6+$0x0], $0xffff  }
0x2ac: {  	v10 =	vld.idx.msk [tilespmem:v8+s6+$0x0], $0xffff  }
0x2ad: {  	v7 =	vld.idx.msk [tilespmem:v9+s6+$0x0], $0xffff  }
.Ltmp5:
0x2ae: {  	v6 =	vld.idx.msk [tilespmem:v11+s6+$0x0], $0xffff;
	(pc) =	sbr.rel @p0 .LBB2_13-.Ltmp5, $4  }
0x2af: {  	v5 =	vld.idx.msk [tilespmem:v12+s6+$0x0], $0xffff  }
0x2b0: {  	v3 =	vld.idx.msk [tilespmem:v13+s6+$0x0], $0xffff  }
0x2b1: {  	v8 =	vadd.f32 v4, v1;
	v2 =	vld.idx.msk [tilespmem:v14+s6+$0x0], $0xffff  }
0x2b2: {  	s13 =	sadd.s32 $0x100, s13;
	s10 =	sadd.s32 $0x100, s10;
	v9 =	vadd.f32 v10, v1;
	v4 =	vld.idx.msk [tilespmem:v15+s6+$0x0], $0xffff  }
0x2b3: {  	v7 =	vadd.f32 v7, v1;
	[tilespmem:s10+$0x0] =	vst v8  }
0x2b4: {  	v6 =	vadd.f32 v6, v1;
	[tilespmem:s10+$0xFFFFFFA0] =	vst v9  }
0x2b5: {  	v5 =	vadd.f32 v5, v1;
	[tilespmem:s10+$0xFFFFFFB0] =	vst v7  }
0x2b6: {  	[tilespmem:s10+$0xFFFFFFC0] =	vst v6;
	v3 =	vadd.f32 v3, v1  }
0x2b7: {  	[tilespmem:s10+$0xFFFFFFD0] =	vst v5;
	v2 =	vadd.f32 v2, v1  }
0x2b8: {  	v4 =	vadd.f32 v4, v1;
	[tilespmem:s10+$0xFFFFFFE0] =	vst v3  }
0x2b9: {  	[tilespmem:s10+$0xFFFFFFF0] =	vst v2  }
0x2ba: {  	[tilespmem:s10+$0xFFFFFF90] =	vst v4  }
0x2bb: {  	s10 =	rddreg [dreg:$0x12]  }
0x2bc: {  	s10 =	sadd.s32 s7, s10  }
0x2bd: {  	[hbm4b:s10+s6] =	stream.linear.scatter [tilespmem:s18], [sflag:$0x4], $0x80, $0x38;
	[tilespmem:$0x1A780] =	vst v63  }
0x2be: {  	s11 =	sadd.s32 $0x80, s10  }
0x2bf: {  	[hbm4b:s11+s6] =	stream.linear.scatter [tilespmem:s19], [sflag:$0x4], $0x80, $0x38;
	[tilespmem:$0x1A780] =	vst v63  }
0x2c0: {  	s13 =	sadd.s32 $0x100, s10  }
0x2c1: {  	[hbm4b:s13+s6] =	stream.linear.scatter [tilespmem:s20], [sflag:$0x4], $0x80, $0x38;
	[tilespmem:$0x1A780] =	vst v63  }
0x2c2: {  	s13 =	sadd.s32 $0x180, s10  }
0x2c3: {  	[hbm4b:s13+s6] =	stream.linear.scatter [tilespmem:s21], [sflag:$0x4], $0x80, $0x38;
	[tilespmem:$0x1A780] =	vst v63  }
0x2c4: {  	s13 =	sadd.s32 $0x200, s10  }
0x2c5: {  	[hbm4b:s13+s6] =	stream.linear.scatter [tilespmem:s22], [sflag:$0x4], $0x80, $0x38;
	[tilespmem:$0x1A780] =	vst v63  }
0x2c6: {  	s13 =	sadd.s32 $0x280, s10  }
0x2c7: {  	[hbm4b:s13+s6] =	stream.linear.scatter [tilespmem:s23], [sflag:$0x4], $0x80, $0x38;
	[tilespmem:$0x1A780] =	vst v63  }
0x2c8: {  	s13 =	sadd.s32 $0x300, s10  }
0x2c9: {  	[hbm4b:s13+s6] =	stream.linear.scatter [tilespmem:s29], [sflag:$0x4], $0x80, $0x38;
	[tilespmem:$0x1A780] =	vst v63  }
0x2ca: {  	s13 =	sadd.s32 $0x380, s10  }
0x2cb: {  	[hbm4b:s13+s6] =	stream.linear.scatter [tilespmem:s30], [sflag:$0x4], $0x80, $0x38;
	[tilespmem:$0x1A780] =	vst v63  }
0x2cc: {  	s13 =	sadd.s32 $0x400, s10  }
0x2cd: {  	[hbm4b:s13+s6] =	stream.linear.scatter [tilespmem:s31], [sflag:$0x4], $0x80, $0x38;
	[tilespmem:$0x1A780] =	vst v63  }
0x2ce: {  	s13 =	sadd.s32 $0x480, s10  }
0x2cf: {  	[hbm4b:s13+s6] =	stream.linear.scatter [tilespmem:s0], [sflag:$0x4], $0x80, $0x38;
	[tilespmem:$0x1A780] =	vst v63  }
0x2d0: {  	s13 =	sadd.s32 $0x500, s10  }
0x2d1: {  	[hbm4b:s13+s6] =	stream.linear.scatter [tilespmem:s4], [sflag:$0x4], $0x80, $0x38;
	[tilespmem:$0x1A780] =	vst v63  }
0x2d2: {  	s13 =	sadd.s32 $0x580, s10  }
0x2d3: {  	[hbm4b:s13+s6] =	stream.linear.scatter [tilespmem:s24], [sflag:$0x4], $0x80, $0x38;
	[tilespmem:$0x1A780] =	vst v63  }
0x2d4: {  	s13 =	sadd.s32 $0x600, s10  }
0x2d5: {  	[hbm4b:s13+s6] =	stream.linear.scatter [tilespmem:s1], [sflag:$0x4], $0x80, $0x38;
	[tilespmem:$0x1A780] =	vst v63  }
0x2d6: {  	s13 =	sadd.s32 $0x680, s10  }
0x2d7: {  	[hbm4b:s13+s6] =	stream.linear.scatter [tilespmem:s3], [sflag:$0x4], $0x80, $0x38;
	[tilespmem:$0x1A780] =	vst v63  }
0x2d8: {  	s13 =	sadd.s32 $0x700, s10  }
0x2d9: {  	[hbm4b:s13+s6] =	stream.linear.scatter [tilespmem:s2], [sflag:$0x4], $0x80, $0x38;
	[tilespmem:$0x1A780] =	vst v63  }
0x2da: {  	s10 =	sadd.s32 $0x780, s10  }
0x2db: {  	[hbm4b:s10+s6] =	stream.linear.scatter [tilespmem:s5], [sflag:$0x4], $0x80, $0x38;
	[tilespmem:$0x1A780] =	vst v63  }
0x2dc: {  	_ =	swait.ge [sflag:s12], $0x800  }
0x2dd: {  	[sflag:s12] =	ssyncset.done $0x0;
	s11 =	rddreg [dreg:$0x13]  }
0x2de: {  	s13 =	simm.s32 $0x18780;
	[sflag:s12] =	ssyncadd.s32 $0xFFFFF800;
	s9 =	sadd.s32 s9, s11  }
0x2df: {  	[tilespmem:s13], [sflag:$0x2] =	stream.linear.gather [hbm4b:s9+s6], $0x80, $0x38;
	[tilespmem:$0x1A780] =	vst v63  }
0x2e0: {  	s11 =	sadd.s32 $0x80, s9;
	s13 =	simm.s32 $0x18880  }
0x2e1: {  	[tilespmem:s13], [sflag:$0x2] =	stream.linear.gather [hbm4b:s11+s6], $0x80, $0x38;
	[tilespmem:$0x1A780] =	vst v63  }
0x2e2: {  	s11 =	sadd.s32 $0x100, s9;
	s13 =	simm.s32 $0x18980  }
0x2e3: {  	[tilespmem:s13], [sflag:$0x2] =	stream.linear.gather [hbm4b:s11+s6], $0x80, $0x38;
	[tilespmem:$0x1A780] =	vst v63  }
0x2e4: {  	s11 =	sadd.s32 $0x180, s9;
	s13 =	simm.s32 $0x18A80  }
0x2e5: {  	[tilespmem:s13], [sflag:$0x2] =	stream.linear.gather [hbm4b:s11+s6], $0x80, $0x38;
	[tilespmem:$0x1A780] =	vst v63  }
0x2e6: {  	s11 =	sadd.s32 $0x200, s9;
	s13 =	simm.s32 $0x18B80  }
0x2e7: {  	[tilespmem:s13], [sflag:$0x2] =	stream.linear.gather [hbm4b:s11+s6], $0x80, $0x38;
	[tilespmem:$0x1A780] =	vst v63  }
0x2e8: {  	s11 =	sadd.s32 $0x280, s9;
	s13 =	simm.s32 $0x18C80  }
0x2e9: {  	[tilespmem:s13], [sflag:$0x2] =	stream.linear.gather [hbm4b:s11+s6], $0x80, $0x38;
	[tilespmem:$0x1A780] =	vst v63  }
0x2ea: {  	s11 =	sadd.s32 $0x300, s9;
	s13 =	simm.s32 $0x18D80  }
0x2eb: {  	[tilespmem:s13], [sflag:$0x2] =	stream.linear.gather [hbm4b:s11+s6], $0x80, $0x38;
	[tilespmem:$0x1A780] =	vst v63  }
0x2ec: {  	s11 =	sadd.s32 $0x380, s9;
	s13 =	simm.s32 $0x18E80  }
0x2ed: {  	[tilespmem:s13], [sflag:$0x2] =	stream.linear.gather [hbm4b:s11+s6], $0x80, $0x38;
	[tilespmem:$0x1A780] =	vst v63  }
0x2ee: {  	s11 =	sadd.s32 $0x400, s9;
	s13 =	simm.s32 $0x18F80  }
0x2ef: {  	[tilespmem:s13], [sflag:$0x2] =	stream.linear.gather [hbm4b:s11+s6], $0x80, $0x38;
	[tilespmem:$0x1A780] =	vst v63  }
0x2f0: {  	s11 =	sadd.s32 $0x480, s9;
	s13 =	simm.s32 $0x19080  }
0x2f1: {  	[tilespmem:s13], [sflag:$0x2] =	stream.linear.gather [hbm4b:s11+s6], $0x80, $0x38;
	[tilespmem:$0x1A780] =	vst v63  }
0x2f2: {  	s11 =	sadd.s32 $0x500, s9;
	s13 =	simm.s32 $0x19180  }
0x2f3: {  	[tilespmem:s13], [sflag:$0x2] =	stream.linear.gather [hbm4b:s11+s6], $0x80, $0x38;
	[tilespmem:$0x1A780] =	vst v63  }
0x2f4: {  	s11 =	sadd.s32 $0x580, s9;
	s13 =	simm.s32 $0x19280  }
0x2f5: {  	[tilespmem:s13], [sflag:$0x2] =	stream.linear.gather [hbm4b:s11+s6], $0x80, $0x38;
	[tilespmem:$0x1A780] =	vst v63  }
0x2f6: {  	s11 =	sadd.s32 $0x600, s9;
	s13 =	simm.s32 $0x19380  }
0x2f7: {  	[tilespmem:s13], [sflag:$0x2] =	stream.linear.gather [hbm4b:s11+s6], $0x80, $0x38;
	[tilespmem:$0x1A780] =	vst v63  }
0x2f8: {  	s11 =	sadd.s32 $0x680, s9;
	s13 =	simm.s32 $0x19480  }
0x2f9: {  	[tilespmem:s13], [sflag:$0x2] =	stream.linear.gather [hbm4b:s11+s6], $0x80, $0x38;
	[tilespmem:$0x1A780] =	vst v63  }
0x2fa: {  	s11 =	sadd.s32 $0x700, s9;
	s13 =	simm.s32 $0x19580  }
0x2fb: {  	[tilespmem:s13], [sflag:$0x2] =	stream.linear.gather [hbm4b:s11+s6], $0x80, $0x38;
	[tilespmem:$0x1A780] =	vst v63  }
0x2fc: {  	s9 =	sadd.s32 $0x780, s9;
	s11 =	simm.s32 $0x19680  }
0x2fd: {  	[tilespmem:s11], [sflag:$0x2] =	stream.linear.gather [hbm4b:s9+s6], $0x80, $0x38;
	[tilespmem:$0x1A780] =	vst v63  }
0x2fe: {  	_ =	swait.ge [sflag:s25], $0x800  }
0x2ff: {  	[sflag:s25] =	ssyncset.done $0x0  }
0x300: {  	s13 =	simm.s32 $0x18740;
	[sflag:s25] =	ssyncadd.s32 $0xFFFFF800  }
0x301: {  	v2 =	vld [tilespmem:s13+$0x30]  }
0x302: {  	v3 =	vld [tilespmem:s13+$0xFFFFFFD0]  }
0x303: {  	v4 =	vld [tilespmem:s13+$0xFFFFFFE0]  }
0x304: {  	v5 =	vld [tilespmem:s13+$0xFFFFFFF0]  }
0x305: {  	v8 =	vld [tilespmem:s13+$0x0]  }
0x306: {  	v9 =	vld [tilespmem:s13+$0x10]  }
0x307: {  	v10 =	vld [tilespmem:s13+$0x20]  }
0x308: {  	v11 =	vld [tilespmem:s13+$0xFFFFFFC0]  }
0x309: {  	v12 =	vld.idx.msk [tilespmem:v2+s6+$0x0], $0xffff  }
0x30a: {  	v13 =	vld.idx.msk [tilespmem:v3+s6+$0x0], $0xffff  }
0x30b: {  	v7 =	vld.idx.msk [tilespmem:v4+s6+$0x0], $0xffff  }
0x30c: {  	v6 =	vld.idx.msk [tilespmem:v5+s6+$0x0], $0xffff  }
0x30d: {  	v5 =	vld.idx.msk [tilespmem:v8+s6+$0x0], $0xffff  }
0x30e: {  	v3 =	vld.idx.msk [tilespmem:v9+s6+$0x0], $0xffff  }
0x30f: {  	v2 =	vld.idx.msk [tilespmem:v10+s6+$0x0], $0xffff;
	v8 =	vadd.f32 v12, v1  }
0x310: {  	s10 =	simm.s32 $0x0;
	s9 =	simm.s32 $0x19740;
	s11 =	simm.s32 $0x18840;
	v4 =	vld.idx.msk [tilespmem:v11+s6+$0x0], $0xffff;
	v9 =	vadd.f32 v13, v1  }
.LBB2_15:
0x311: {  	v10 =	vld [tilespmem:s11+$0x30];
	s10 =	sadd.s32 $0x8, s10;
	v7 =	vadd.f32 v7, v1;
	[tilespmem:s9+$0x30] =	vst v8  }
0x312: {  	v6 =	vadd.f32 v6, v1;
	v8 =	vld [tilespmem:s11+$0xFFFFFFD0];
	p0 =	slt.u32 s10, $0x78;
	[tilespmem:s9+$0xFFFFFFD0] =	vst v9  }
0x313: {  	v5 =	vadd.f32 v5, v1;
	v9 =	vld [tilespmem:s11+$0xFFFFFFE0];
	[tilespmem:s9+$0xFFFFFFE0] =	vst v7  }
0x314: {  	v3 =	vadd.f32 v3, v1;
	v11 =	vld [tilespmem:s11+$0xFFFFFFF0];
	[tilespmem:s9+$0xFFFFFFF0] =	vst v6  }
0x315: {  	v2 =	vadd.f32 v2, v1;
	v12 =	vld [tilespmem:s11+$0x0];
	[tilespmem:s9+$0x0] =	vst v5  }
0x316: {  	v4 =	vadd.f32 v4, v1;
	v13 =	vld [tilespmem:s11+$0x10];
	[tilespmem:s9+$0x10] =	vst v3  }
0x317: {  	v14 =	vld [tilespmem:s11+$0x20];
	[tilespmem:s9+$0x20] =	vst v2  }
0x318: {  	v15 =	vld [tilespmem:s11+$0xFFFFFFC0];
	[tilespmem:s9+$0xFFFFFFC0] =	vst v4  }
0x319: {  	v4 =	vld.idx.msk [tilespmem:v10+s6+$0x0], $0xffff  }
0x31a: {  	v10 =	vld.idx.msk [tilespmem:v8+s6+$0x0], $0xffff  }
0x31b: {  	v7 =	vld.idx.msk [tilespmem:v9+s6+$0x0], $0xffff  }
.Ltmp6:
0x31c: {  	v6 =	vld.idx.msk [tilespmem:v11+s6+$0x0], $0xffff;
	(pc) =	sbr.rel @p0 .LBB2_15-.Ltmp6, $4  }
0x31d: {  	v5 =	vld.idx.msk [tilespmem:v12+s6+$0x0], $0xffff  }
0x31e: {  	v3 =	vld.idx.msk [tilespmem:v13+s6+$0x0], $0xffff  }
0x31f: {  	v8 =	vadd.f32 v4, v1;
	v2 =	vld.idx.msk [tilespmem:v14+s6+$0x0], $0xffff  }
0x320: {  	s11 =	sadd.s32 $0x100, s11;
	s9 =	sadd.s32 $0x100, s9;
	v9 =	vadd.f32 v10, v1;
	v4 =	vld.idx.msk [tilespmem:v15+s6+$0x0], $0xffff  }
0x321: {  	v7 =	vadd.f32 v7, v1;
	[tilespmem:s9+$0x30] =	vst v8  }
0x322: {  	v6 =	vadd.f32 v6, v1;
	[tilespmem:s9+$0xFFFFFFD0] =	vst v9  }
0x323: {  	v5 =	vadd.f32 v5, v1;
	[tilespmem:s9+$0xFFFFFFE0] =	vst v7  }
0x324: {  	[tilespmem:s9+$0xFFFFFFF0] =	vst v6;
	v3 =	vadd.f32 v3, v1  }
0x325: {  	[tilespmem:s9+$0x0] =	vst v5;
	v2 =	vadd.f32 v2, v1  }
0x326: {  	v4 =	vadd.f32 v4, v1;
	[tilespmem:s9+$0x10] =	vst v3  }
0x327: {  	[tilespmem:s9+$0x20] =	vst v2  }
0x328: {  	[tilespmem:s9+$0xFFFFFFC0] =	vst v4  }
0x329: {  	s9 =	rddreg [dreg:$0x14]  }
0x32a: {  	s10 =	simm.s32 $0x19700;
	s9 =	sadd.s32 s7, s9  }
0x32b: {  	[hbm4b:s9+s6] =	stream.linear.scatter [tilespmem:s10], [sflag:$0x3], $0x80, $0x38;
	[tilespmem:$0x1A780] =	vst v63  }
0x32c: {  	s11 =	simm.s32 $0x19800;
	s13 =	sadd.s32 $0x80, s9  }
0x32d: {  	[hbm4b:s13+s6] =	stream.linear.scatter [tilespmem:s11], [sflag:$0x3], $0x80, $0x38;
	[tilespmem:$0x1A780] =	vst v63  }
0x32e: {  	s11 =	sadd.s32 $0x100, s9;
	s13 =	simm.s32 $0x19900  }
0x32f: {  	[hbm4b:s11+s6] =	stream.linear.scatter [tilespmem:s13], [sflag:$0x3], $0x80, $0x38;
	[tilespmem:$0x1A780] =	vst v63  }
0x330: {  	s11 =	sadd.s32 $0x180, s9;
	s13 =	simm.s32 $0x19A00  }
0x331: {  	[hbm4b:s11+s6] =	stream.linear.scatter [tilespmem:s13], [sflag:$0x3], $0x80, $0x38;
	[tilespmem:$0x1A780] =	vst v63  }
0x332: {  	s11 =	sadd.s32 $0x200, s9;
	s13 =	simm.s32 $0x19B00  }
0x333: {  	[hbm4b:s11+s6] =	stream.linear.scatter [tilespmem:s13], [sflag:$0x3], $0x80, $0x38;
	[tilespmem:$0x1A780] =	vst v63  }
0x334: {  	s11 =	sadd.s32 $0x280, s9;
	s13 =	simm.s32 $0x19C00  }
0x335: {  	[hbm4b:s11+s6] =	stream.linear.scatter [tilespmem:s13], [sflag:$0x3], $0x80, $0x38;
	[tilespmem:$0x1A780] =	vst v63  }
0x336: {  	s11 =	sadd.s32 $0x300, s9;
	s13 =	simm.s32 $0x19D00  }
0x337: {  	[hbm4b:s11+s6] =	stream.linear.scatter [tilespmem:s13], [sflag:$0x3], $0x80, $0x38;
	[tilespmem:$0x1A780] =	vst v63  }
0x338: {  	s11 =	sadd.s32 $0x380, s9;
	s13 =	simm.s32 $0x19E00  }
0x339: {  	[hbm4b:s11+s6] =	stream.linear.scatter [tilespmem:s13], [sflag:$0x3], $0x80, $0x38;
	[tilespmem:$0x1A780] =	vst v63  }
0x33a: {  	s11 =	sadd.s32 $0x400, s9;
	s13 =	simm.s32 $0x19F00  }
0x33b: {  	[hbm4b:s11+s6] =	stream.linear.scatter [tilespmem:s13], [sflag:$0x3], $0x80, $0x38;
	[tilespmem:$0x1A780] =	vst v63  }
0x33c: {  	s11 =	sadd.s32 $0x480, s9;
	s13 =	simm.s32 $0x1A000  }
0x33d: {  	[hbm4b:s11+s6] =	stream.linear.scatter [tilespmem:s13], [sflag:$0x3], $0x80, $0x38;
	[tilespmem:$0x1A780] =	vst v63  }
0x33e: {  	s11 =	sadd.s32 $0x500, s9;
	s13 =	simm.s32 $0x1A100  }
0x33f: {  	[hbm4b:s11+s6] =	stream.linear.scatter [tilespmem:s13], [sflag:$0x3], $0x80, $0x38;
	[tilespmem:$0x1A780] =	vst v63  }
0x340: {  	s11 =	sadd.s32 $0x580, s9;
	s13 =	simm.s32 $0x1A200  }
0x341: {  	[hbm4b:s11+s6] =	stream.linear.scatter [tilespmem:s13], [sflag:$0x3], $0x80, $0x38;
	[tilespmem:$0x1A780] =	vst v63  }
0x342: {  	s11 =	sadd.s32 $0x600, s9;
	s13 =	simm.s32 $0x1A300  }
0x343: {  	[hbm4b:s11+s6] =	stream.linear.scatter [tilespmem:s13], [sflag:$0x3], $0x80, $0x38;
	[tilespmem:$0x1A780] =	vst v63  }
0x344: {  	s13 =	sadd.s32 $0x680, s9  }
0x345: {  	[hbm4b:s13+s6] =	stream.linear.scatter [tilespmem:s14], [sflag:$0x3], $0x80, $0x38;
	[tilespmem:$0x1A780] =	vst v63  }
0x346: {  	s11 =	sadd.s32 $0x700, s9  }
0x347: {  	[hbm4b:s11+s6] =	stream.linear.scatter [tilespmem:s15], [sflag:$0x3], $0x80, $0x38;
	[tilespmem:$0x1A780] =	vst v63  }
0x348: {  	s9 =	sadd.s32 $0x780, s9  }
0x349: {  	[hbm4b:s9+s6] =	stream.linear.scatter [tilespmem:s16], [sflag:$0x3], $0x80, $0x38;
	[tilespmem:$0x1A780] =	vst v63  }
0x34a: {  	_ =	swait.ge [sflag:s17], $0x800  }
0x34b: {  	[sflag:s17] =	ssyncset.done $0x0  }
0x34c: {  	[sflag:s17] =	ssyncadd.s32 $0xFFFFF800  }
0x34d: {  	_ =	swait.ge [sflag:s26], $0x800  }
0x34e: {  	[sflag:s26] =	ssyncset.done $0x0  }
0x34f: {  	s13 =	simm.s32 $0x187F0;
	[sflag:s26] =	ssyncadd.s32 $0xFFFFF800  }
0x350: {  	v2 =	vld [tilespmem:s13+$0x0]  }
0x351: {  	v3 =	vld [tilespmem:s13+$0xFFFFFFA0]  }
0x352: {  	v4 =	vld [tilespmem:s13+$0xFFFFFFB0]  }
0x353: {  	v5 =	vld [tilespmem:s13+$0xFFFFFFC0]  }
0x354: {  	v8 =	vld [tilespmem:s13+$0xFFFFFFD0]  }
0x355: {  	v9 =	vld [tilespmem:s13+$0xFFFFFFE0]  }
0x356: {  	v10 =	vld [tilespmem:s13+$0xFFFFFFF0]  }
0x357: {  	v11 =	vld [tilespmem:s13+$0xFFFFFF90]  }
0x358: {  	v12 =	vld.idx.msk [tilespmem:v2+s6+$0x0], $0xffff  }
0x359: {  	v13 =	vld.idx.msk [tilespmem:v3+s6+$0x0], $0xffff  }
0x35a: {  	v7 =	vld.idx.msk [tilespmem:v4+s6+$0x0], $0xffff  }
0x35b: {  	v6 =	vld.idx.msk [tilespmem:v5+s6+$0x0], $0xffff  }
0x35c: {  	v5 =	vld.idx.msk [tilespmem:v8+s6+$0x0], $0xffff  }
0x35d: {  	v3 =	vld.idx.msk [tilespmem:v9+s6+$0x0], $0xffff  }
0x35e: {  	v2 =	vld.idx.msk [tilespmem:v10+s6+$0x0], $0xffff;
	v8 =	vadd.f32 v12, v1  }
0x35f: {  	s10 =	simm.s32 $0x0;
	s11 =	simm.s32 $0x188F0;
	s9 =	simm.s32 $0x197F0;
	v4 =	vld.idx.msk [tilespmem:v11+s6+$0x0], $0xffff;
	v9 =	vadd.f32 v13, v1  }
.LBB2_17:
0x360: {  	v10 =	vld [tilespmem:s11+$0x0];
	s10 =	sadd.s32 $0x8, s10;
	v7 =	vadd.f32 v7, v1;
	[tilespmem:s9+$0x0] =	vst v8  }
0x361: {  	v6 =	vadd.f32 v6, v1;
	v8 =	vld [tilespmem:s11+$0xFFFFFFA0];
	p0 =	slt.u32 s10, $0x78;
	[tilespmem:s9+$0xFFFFFFA0] =	vst v9  }
0x362: {  	v5 =	vadd.f32 v5, v1;
	v9 =	vld [tilespmem:s11+$0xFFFFFFB0];
	[tilespmem:s9+$0xFFFFFFB0] =	vst v7  }
0x363: {  	v3 =	vadd.f32 v3, v1;
	v11 =	vld [tilespmem:s11+$0xFFFFFFC0];
	[tilespmem:s9+$0xFFFFFFC0] =	vst v6  }
0x364: {  	v2 =	vadd.f32 v2, v1;
	v12 =	vld [tilespmem:s11+$0xFFFFFFD0];
	[tilespmem:s9+$0xFFFFFFD0] =	vst v5  }
0x365: {  	v4 =	vadd.f32 v4, v1;
	v13 =	vld [tilespmem:s11+$0xFFFFFFE0];
	[tilespmem:s9+$0xFFFFFFE0] =	vst v3  }
0x366: {  	v14 =	vld [tilespmem:s11+$0xFFFFFFF0];
	[tilespmem:s9+$0xFFFFFFF0] =	vst v2  }
0x367: {  	v15 =	vld [tilespmem:s11+$0xFFFFFF90];
	[tilespmem:s9+$0xFFFFFF90] =	vst v4  }
0x368: {  	v4 =	vld.idx.msk [tilespmem:v10+s6+$0x0], $0xffff  }
0x369: {  	v10 =	vld.idx.msk [tilespmem:v8+s6+$0x0], $0xffff  }
0x36a: {  	v7 =	vld.idx.msk [tilespmem:v9+s6+$0x0], $0xffff  }
.Ltmp7:
0x36b: {  	v6 =	vld.idx.msk [tilespmem:v11+s6+$0x0], $0xffff;
	(pc) =	sbr.rel @p0 .LBB2_17-.Ltmp7, $4  }
0x36c: {  	v5 =	vld.idx.msk [tilespmem:v12+s6+$0x0], $0xffff  }
0x36d: {  	v3 =	vld.idx.msk [tilespmem:v13+s6+$0x0], $0xffff  }
0x36e: {  	v8 =	vadd.f32 v4, v1;
	v2 =	vld.idx.msk [tilespmem:v14+s6+$0x0], $0xffff  }
0x36f: {  	s11 =	sadd.s32 $0x100, s11;
	s9 =	sadd.s32 $0x100, s9;
	v9 =	vadd.f32 v10, v1;
	v4 =	vld.idx.msk [tilespmem:v15+s6+$0x0], $0xffff  }
0x370: {  	v7 =	vadd.f32 v7, v1;
	[tilespmem:s9+$0x0] =	vst v8  }
0x371: {  	v6 =	vadd.f32 v6, v1;
	[tilespmem:s9+$0xFFFFFFA0] =	vst v9  }
0x372: {  	v5 =	vadd.f32 v5, v1;
	[tilespmem:s9+$0xFFFFFFB0] =	vst v7  }
0x373: {  	[tilespmem:s9+$0xFFFFFFC0] =	vst v6;
	v3 =	vadd.f32 v3, v1  }
0x374: {  	[tilespmem:s9+$0xFFFFFFD0] =	vst v5;
	v2 =	vadd.f32 v2, v1  }
0x375: {  	v1 =	vadd.f32 v4, v1;
	[tilespmem:s9+$0xFFFFFFE0] =	vst v3  }
0x376: {  	[tilespmem:s9+$0xFFFFFFF0] =	vst v2  }
0x377: {  	[tilespmem:s9+$0xFFFFFF90] =	vst v1  }
0x378: {  	s9 =	rddreg [dreg:$0x15]  }
0x379: {  	s7 =	sadd.s32 s7, s9  }
0x37a: {  	[hbm4b:s7+s6] =	stream.linear.scatter [tilespmem:s18], [sflag:$0x4], $0x80, $0x38;
	[tilespmem:$0x1A780] =	vst v63  }
0x37b: {  	s9 =	sadd.s32 $0x80, s7  }
0x37c: {  	[hbm4b:s9+s6] =	stream.linear.scatter [tilespmem:s19], [sflag:$0x4], $0x80, $0x38;
	[tilespmem:$0x1A780] =	vst v63  }
0x37d: {  	s13 =	sadd.s32 $0x100, s7  }
0x37e: {  	[hbm4b:s13+s6] =	stream.linear.scatter [tilespmem:s20], [sflag:$0x4], $0x80, $0x38;
	[tilespmem:$0x1A780] =	vst v63  }
0x37f: {  	s10 =	sadd.s32 $0x180, s7  }
0x380: {  	[hbm4b:s10+s6] =	stream.linear.scatter [tilespmem:s21], [sflag:$0x4], $0x80, $0x38;
	[tilespmem:$0x1A780] =	vst v63  }
0x381: {  	s11 =	sadd.s32 $0x200, s7  }
0x382: {  	[hbm4b:s11+s6] =	stream.linear.scatter [tilespmem:s22], [sflag:$0x4], $0x80, $0x38;
	[tilespmem:$0x1A780] =	vst v63  }
0x383: {  	s13 =	sadd.s32 $0x280, s7  }
0x384: {  	[hbm4b:s13+s6] =	stream.linear.scatter [tilespmem:s23], [sflag:$0x4], $0x80, $0x38;
	[tilespmem:$0x1A780] =	vst v63  }
0x385: {  	s10 =	sadd.s32 $0x300, s7  }
0x386: {  	[hbm4b:s10+s6] =	stream.linear.scatter [tilespmem:s29], [sflag:$0x4], $0x80, $0x38;
	[tilespmem:$0x1A780] =	vst v63  }
0x387: {  	s11 =	sadd.s32 $0x380, s7  }
0x388: {  	[hbm4b:s11+s6] =	stream.linear.scatter [tilespmem:s30], [sflag:$0x4], $0x80, $0x38;
	[tilespmem:$0x1A780] =	vst v63  }
0x389: {  	s13 =	sadd.s32 $0x400, s7  }
0x38a: {  	[hbm4b:s13+s6] =	stream.linear.scatter [tilespmem:s31], [sflag:$0x4], $0x80, $0x38;
	[tilespmem:$0x1A780] =	vst v63  }
0x38b: {  	s10 =	sadd.s32 $0x480, s7  }
0x38c: {  	[hbm4b:s10+s6] =	stream.linear.scatter [tilespmem:s0], [sflag:$0x4], $0x80, $0x38;
	[tilespmem:$0x1A780] =	vst v63  }
0x38d: {  	s11 =	sadd.s32 $0x500, s7  }
0x38e: {  	[hbm4b:s11+s6] =	stream.linear.scatter [tilespmem:s4], [sflag:$0x4], $0x80, $0x38;
	[tilespmem:$0x1A780] =	vst v63  }
0x38f: {  	s13 =	sadd.s32 $0x580, s7  }
0x390: {  	[hbm4b:s13+s6] =	stream.linear.scatter [tilespmem:s24], [sflag:$0x4], $0x80, $0x38;
	[tilespmem:$0x1A780] =	vst v63  }
0x391: {  	s10 =	sadd.s32 $0x600, s7  }
0x392: {  	[hbm4b:s10+s6] =	stream.linear.scatter [tilespmem:s1], [sflag:$0x4], $0x80, $0x38;
	[tilespmem:$0x1A780] =	vst v63  }
0x393: {  	s11 =	sadd.s32 $0x680, s7  }
0x394: {  	[hbm4b:s11+s6] =	stream.linear.scatter [tilespmem:s3], [sflag:$0x4], $0x80, $0x38;
	[tilespmem:$0x1A780] =	vst v63  }
0x395: {  	s13 =	sadd.s32 $0x700, s7  }
0x396: {  	[hbm4b:s13+s6] =	stream.linear.scatter [tilespmem:s2], [sflag:$0x4], $0x80, $0x38;
	[tilespmem:$0x1A780] =	vst v63  }
0x397: {  	s8 =	sadd.s32 $0x1, s8;
	s7 =	sadd.s32 $0x780, s7  }
0x398: {  	[hbm4b:s7+s6] =	stream.linear.scatter [tilespmem:s5], [sflag:$0x4], $0x80, $0x38;
	[tilespmem:$0x1A780] =	vst v63  }
0x399: {  	p0 =	sne.s32 s8, $0x1A;
	_ =	swait.ge [sflag:s25], $0x800  }
.Ltmp8:
0x39a: {  	[sflag:s25] =	ssyncset.done $0x0;
	(pc) =	sbr.rel @p0 .LBB2_2-.Ltmp8, $4  }
0x39b: {  	[sflag:s25] =	ssyncadd.s32 $0xFFFFF800  }
0x39c: {  	_ =	swait.ge [sflag:s26], $0x800  }
0x39d: {  	[sflag:s26] =	ssyncset.done $0x0  }
0x39e: {  	[sflag:s26] =	ssyncadd.s32 $0xFFFFF800  }
0x39f: {  	s8 =	rddreg [dreg:$0x17]  }
0x3a0: {  	s7 =	rddreg [dreg:$0x16];
	s8 =	sadd.s32 $0x1, s8  }
0x3a1: {  	p0 =	sne.s32 s8, s7  }
.Ltmp9:
0x3a2: {  	_ = 	snop;
	(pc) =	sbr.rel @p0 .LBB2_1-.Ltmp9, $1  }
0x3a3: {  	_ =	sdelay $0x3  }
0x3a4: {  	_ =	sfence.sel $0x180000  }
0x3a5: {  	[bflag:$0x0] =	sbarrier.arrive $0xFFFF  }
0x3a6: {  	_ =	strace $0x90000047  }
0x3a7: {  	s0 =	stileid.u32;
	[bflag:$0x2] =	sbarrier.arrive $0xFFFF  }
0x3a8: {  	p0 =	sne.s32 s0, $0x0;
	s0 =	rddreg [dreg:$0x4]  }
0x3a9: {  	s0 =	sadd.s32 @!p0 $0x100000, s0  }
0x3aa: {  	[sflag:s0] =	ssyncadd.tile.s32 @!p0 $0x1;
	_ =	shalt  }
.Lfunc_end2:
_tile_overlayer_lowered:
.L_overlay_start_2:
0x3ab: {  	(tag) =	ssettag $0x2  }
0x3ac: {  	s0 =	rddreg [dreg:$0x0];
	s2 =	stileid.u32  }
0x3ad: {  	s1 =	rddreg [dreg:$0x1];
	p0 =	sne.s32 s2, $0x0  }
0x3ae: {  	s3 =	rddreg [dreg:$0x2];
	[bflag:$0x3] =	sbarrier.arrive $0xFFFF;
	s2 =	simm.s32 @!p0 $0x1C05  }
0x3af: {  	[timem:s3], [sflag:s2] =	dma.local @!p0 [hbm:s0], s1  }
0x3b0: {  	s0 =	simm.s32 @!p0 $0x5  }
0x3b1: {  	_ =	swait.ge @!p0 [sflag:s0], s1  }
0x3b2: {  	s1 =	ssub.s32 @!p0 $0x0, s1;
	[sflag:s0] =	ssyncset.done @!p0 $0x0  }
0x3b3: {  	[sflag:s0] =	ssyncadd.s32 @!p0 s1  }
0x3b4: {  	[bflag:$0x3] =	sbarrier.arrive $0xFFFF  }
0x3b5: {  	_ =	shalt  }

</sc_bundles>
